<compile_context>
chip_gen: v7x
topology: tpu7x:2x2x1
jax: 0.10.2.dev20260603
libtpu: 0.0.44.dev20260713+nightly
codegen_flags: <defaults>
</compile_context>

<pallas_src>
import functools

import jax
import jax.numpy as jnp
from jax import lax
from jax.experimental import pallas as pl
from jax.experimental.pallas import tpu as pltpu
from jax.experimental.pallas import tpu_sc as plsc

N_E_ = 8192
E_DIM_ = 64
N_Z_ = 16384

BZ = 4096
NWC = 512
N_CHUNKS = N_E_ // NWC
N_BLOCKS = N_Z_ // BZ
WINDOW_CHUNKS = (N_E_ // 2) // NWC


def _dist_argmin_kernel(z_ref, w_ref, zz_ref, ww_ref, idx_ref, loss_ref):
    zb = z_ref[...]
    zz = zz_ref[...]
    lane = lax.broadcasted_iota(jnp.int32, (BZ, 128), 1)

    def window(first_chunk):
        val = jnp.full((BZ, 128), jnp.inf, jnp.float32)
        pc = jnp.zeros((BZ, 128), jnp.int32)
        for c in range(first_chunk, first_chunk + WINDOW_CHUNKS):
            wc = w_ref[pl.ds(c * NWC, NWC), :]
            ww = ww_ref[:, pl.ds(c * NWC, NWC)]
            mmneg = lax.dot_general(zb, wc, (((1,), (1,)), ((), ())),
                                    preferred_element_type=jnp.float32)
            d = (zz + ww) + mmneg
            for k in range(NWC // 128):
                dk = d[:, k * 128:(k + 1) * 128]
                cond = dk < val
                val = jnp.where(cond, dk, val)
                pc = jnp.where(cond, jnp.int32(c * (NWC // 128) + k), pc)
        m = jnp.min(val, axis=1)
        col = pc * 128 + lane
        i = jnp.min(jnp.where(val == m[:, None], col, N_E_), axis=1)
        return m, i

    m1, i1 = window(0)
    m2, i2 = window(WINDOW_CHUNKS)
    m1q = m1.astype(jnp.bfloat16).astype(jnp.float32)
    upd = m2 < m1q
    best_idx = jnp.where(upd, i2, i1)
    best_exact = jnp.where(upd, m2, m1)
    idx_ref[0, 0, :] = best_idx

    @pl.when(pl.program_id(0) == 0)
    def _zero():
        loss_ref[...] = jnp.zeros_like(loss_ref)

    loss_ref[...] += lax.broadcast_in_dim(jnp.sum(best_exact), (1, 1), ())


def _tc_stage(zm16, W16, zz, ww):
    idx3, loss_sum = pl.pallas_call(
        _dist_argmin_kernel,
        grid=(N_BLOCKS,),
        in_specs=[
            pl.BlockSpec((BZ, E_DIM_), lambda i: (i, 0)),
            pl.BlockSpec((N_E_, E_DIM_), lambda i: (0, 0)),
            pl.BlockSpec((BZ, 1), lambda i: (i, 0)),
            pl.BlockSpec((1, N_E_), lambda i: (0, 0)),
        ],
        out_specs=[
            pl.BlockSpec((1, 1, BZ), lambda i: (i, 0, 0)),
            pl.BlockSpec((1, 1), lambda i: (0, 0)),
        ],
        out_shape=[
            jax.ShapeDtypeStruct((N_BLOCKS, 1, BZ), jnp.int32),
            jax.ShapeDtypeStruct((1, 1), jnp.float32),
        ],
    )(zm16, W16, zz, ww)
    return idx3.reshape(N_Z_), loss_sum[0, 0]


@functools.cache
def _sc_gather_fn():
    info = plsc.get_sparse_core_info()
    nw = info.num_cores * info.num_subcores
    bpw = N_Z_ // nw
    mesh = plsc.VectorSubcoreMesh(core_axis_name="c", subcore_axis_name="s")

    @functools.partial(
        pl.kernel,
        mesh=mesh,
        out_type=jax.ShapeDtypeStruct((N_Z_, E_DIM_), jnp.float32),
        scratch_types=[
            pltpu.VMEM((bpw,), jnp.int32),
            pltpu.VMEM((bpw, E_DIM_), jnp.float32),
            pltpu.SemaphoreType.DMA,
        ],
        compiler_params=pltpu.CompilerParams(use_tc_tiling_on_sc=False),
    )
    def gather(w_hbm, idx_hbm, out_hbm, idx_v, rows_v, sem):
        wid = lax.axis_index("s") * info.num_cores + lax.axis_index("c")
        base = wid * bpw
        pltpu.sync_copy(idx_hbm.at[pl.ds(base, bpw)], idx_v)
        pltpu.async_copy(w_hbm.at[idx_v], rows_v, sem).wait()
        pltpu.sync_copy(rows_v, out_hbm.at[pl.ds(base, bpw)])

    return gather


def kernel(z, W):
    zz = jnp.sum(z ** 2, axis=1)
    ww = jnp.sum(W ** 2, axis=1)
    zm16 = (-2.0 * z).astype(jnp.bfloat16)
    W16 = W.astype(jnp.bfloat16)
    idx, loss_sum = _tc_stage(zm16, W16, zz.reshape(N_Z_, 1), ww.reshape(1, N_E_))
    z_q = _sc_gather_fn()(W, idx)
    loss = 2.0 * loss_sum / (N_Z_ * E_DIM_)
    return loss, z_q, idx

# --- scband reference (transcript-rebuilt; emitter-appended) ---
"""Pipeline reference for scband-vector-quantizer-34411277976262 (READ-ONLY COPY).

The authoritative reference and input builder live on the scoring server;
editing this copy changes nothing except your own understanding.
"""

import jax, jax.numpy as jnp
import numpy as np

N_E = 8192
E_DIM = 64
BETA = 1.0

def setup_inputs(seed: int = 0) -> dict:
    key = jax.random.key(seed)
    kz, kw = jax.random.split(key)
    z = jax.random.normal(kz, (16384, E_DIM), dtype=jnp.float32)
    # codebook weight (stand-in for the orthogonalized init; same scale 0.1)
    W = jax.random.normal(kw, (N_E, E_DIM), dtype=jnp.float32)
    W = W / (jnp.linalg.norm(W, axis=1, keepdims=True) + 1e-8) * 0.1
    return {"z": z, "W": W}

def reference(z, W):
    # d[i,j] = ||z_i||^2 + ||w_j||^2 - 2 z_i . w_j
    d = (jnp.sum(z ** 2, axis=1, keepdims=True)
         + jnp.sum(W ** 2, axis=1)
         - 2.0 * jnp.matmul(z, W.T))
    min_encoding_indices = jnp.argmin(d, axis=1)
    z_q = jnp.take(W, min_encoding_indices, axis=0)
    sg = jax.lax.stop_gradient
    loss = jnp.mean((sg(z_q) - z) ** 2) + BETA * jnp.mean((z_q - sg(z)) ** 2)
    z_q_out = z + sg(z_q - z)
    return (loss, z_q_out, min_encoding_indices)

if __name__ == "__main__":
    import jax
    _d = setup_inputs()
    print(jax.jit(kernel)(*tuple(_d.values())))

</pallas_src>

<mosaic_0001>
#map = affine_map<(d0, d1) -> (0, 0)>
#map1 = affine_map<(d0, d1) -> (0)>
module attributes {stable_mosaic.version = 14 : i64} {
  func.func @gather(%arg0: i32, %arg1: i32, %arg2: memref<8192x64xf32, #tpu.memory_space<hbm>>, %arg3: memref<16384xi32, #tpu.memory_space<hbm>>, %arg4: memref<16384x64xf32, #tpu.memory_space<hbm>>, %arg5: memref<512xi32, #tpu.memory_space<vmem>>, %arg6: memref<512x64xf32, #tpu.memory_space<vmem>>, %arg7: memref<!tpu.dma_semaphore, #tpu.memory_space<semaphore_mem>>) attributes {dimension_semantics = [#tpu.dimension_semantics<core_parallel>, #tpu.dimension_semantics<subcore_parallel>], iteration_bounds = array<i64: 2, 16>, scalar_prefetch = 0 : i64, scratch_operands = 3 : i64, tpu.core_type = #tpu.core_type<sc_vector_subcore>, window_params = [{transform_indices = #map}, {transform_indices = #map1}, {transform_indices = #map}]} {
    %mul3A = arith.constant 2 : i32
    %mul3A_0 = arith.muli %arg1, %mul3A : i32
    %add3A = arith.addi %mul3A_0, %arg0 : i32
    %mul3A_1 = arith.constant 512 : i32
    %mul3A_2 = arith.muli %add3A, %mul3A_1 : i32
    "tpu.region"() ({
      %run_scoped3A = tpu.sem_alloc : memref<!tpu.dma_semaphore, #tpu.memory_space<semaphore_mem>>
      %dma_start3A_7 = tpu.memref_slice %arg3[%mul3A_2] : memref<16384xi32, #tpu.memory_space<hbm>> -> memref<512xi32, #tpu.memory_space<hbm>>
      %dma_start3A_8 = tpu.memref_slice %arg3[%mul3A_2] : memref<16384xi32, #tpu.memory_space<hbm>> -> memref<512xi32, #tpu.memory_space<hbm>>
      tpu.enqueue_dma source(%dma_start3A_8 : memref<512xi32, #tpu.memory_space<hbm>>) target(%arg5 : memref<512xi32, #tpu.memory_space<vmem>>) target_semaphore(%run_scoped3A : memref<!tpu.dma_semaphore, #tpu.memory_space<semaphore_mem>>)
      %dma_wait3A_9 = tpu.memref_slice %arg3[%mul3A_2] : memref<16384xi32, #tpu.memory_space<hbm>> -> memref<512xi32, #tpu.memory_space<hbm>>
      %dma_wait3A_10 = tpu.memref_slice %arg3[%mul3A_2] : memref<16384xi32, #tpu.memory_space<hbm>> -> memref<512xi32, #tpu.memory_space<hbm>>
      tpu.wait_dma2 semaphore(%run_scoped3A : memref<!tpu.dma_semaphore, #tpu.memory_space<semaphore_mem>>) src(%dma_wait3A_10 : memref<512xi32, #tpu.memory_space<hbm>>) dst(%arg5 : memref<512xi32, #tpu.memory_space<vmem>>)
      tpu.yield
    }) : () -> ()
    %dma_start3A = arith.constant 0 : i32
    %dma_start3A_3 = arith.constant 0 : i32
    %dma_start3A_4 = tpu.memref_slice %arg2[%dma_start3A, %dma_start3A_3] : memref<8192x64xf32, #tpu.memory_space<hbm>> -> memref<8192x64xf32, #tpu.memory_space<hbm>>
    tpu.enqueue_indirect_dma source(%dma_start3A_4 : memref<8192x64xf32, #tpu.memory_space<hbm>>) target(%arg6 : memref<512x64xf32, #tpu.memory_space<vmem>>) offsets(%arg5 : memref<512xi32, #tpu.memory_space<vmem>>) semaphore(%arg7 : memref<!tpu.dma_semaphore, #tpu.memory_space<semaphore_mem>>)
    %dma_wait3A = arith.constant 0 : i32
    %dma_wait3A_5 = arith.constant 0 : i32
    %dma_wait3A_6 = tpu.memref_slice %arg2[%dma_wait3A, %dma_wait3A_5] : memref<8192x64xf32, #tpu.memory_space<hbm>> -> memref<8192x64xf32, #tpu.memory_space<hbm>>
    tpu.wait_indirect_dma semaphore(%arg7 : memref<!tpu.dma_semaphore, #tpu.memory_space<semaphore_mem>>) src(%dma_wait3A_6 : memref<8192x64xf32, #tpu.memory_space<hbm>>) dst(%arg6 : memref<512x64xf32, #tpu.memory_space<vmem>>)
    "tpu.region"() ({
      %run_scoped3A = tpu.sem_alloc : memref<!tpu.dma_semaphore, #tpu.memory_space<semaphore_mem>>
      %dma_start3A_7 = arith.constant 0 : i32
      %dma_start3A_8 = tpu.memref_slice %arg4[%mul3A_2, %dma_start3A_7] : memref<16384x64xf32, #tpu.memory_space<hbm>> -> memref<512x64xf32, #tpu.memory_space<hbm>>
      %dma_start3A_9 = arith.constant 0 : i32
      %dma_start3A_10 = tpu.memref_slice %arg4[%mul3A_2, %dma_start3A_9] : memref<16384x64xf32, #tpu.memory_space<hbm>> -> memref<512x64xf32, #tpu.memory_space<hbm>>
      tpu.enqueue_dma source(%arg6 : memref<512x64xf32, #tpu.memory_space<vmem>>) target(%dma_start3A_10 : memref<512x64xf32, #tpu.memory_space<hbm>>) target_semaphore(%run_scoped3A : memref<!tpu.dma_semaphore, #tpu.memory_space<semaphore_mem>>)
      %dma_wait3A_11 = arith.constant 0 : i32
      %dma_wait3A_12 = tpu.memref_slice %arg4[%mul3A_2, %dma_wait3A_11] : memref<16384x64xf32, #tpu.memory_space<hbm>> -> memref<512x64xf32, #tpu.memory_space<hbm>>
      %dma_wait3A_13 = arith.constant 0 : i32
      %dma_wait3A_14 = tpu.memref_slice %arg4[%mul3A_2, %dma_wait3A_13] : memref<16384x64xf32, #tpu.memory_space<hbm>> -> memref<512x64xf32, #tpu.memory_space<hbm>>
      tpu.wait_dma2 semaphore(%run_scoped3A : memref<!tpu.dma_semaphore, #tpu.memory_space<semaphore_mem>>) src(%arg6 : memref<512x64xf32, #tpu.memory_space<vmem>>) dst(%dma_wait3A_14 : memref<512x64xf32, #tpu.memory_space<hbm>>)
      tpu.yield
    }) : () -> ()
    return
  }
}

module attributes {stable_mosaic.version = 14 : i64} {
  func.func @_dist_argmin_kernel(%arg0: i32, %arg1: memref<4096x64xbf16, #tpu.memory_space<vmem>>, %arg2: memref<8192x64xbf16, #tpu.memory_space<vmem>>, %arg3: memref<4096x1xf32, #tpu.memory_space<vmem>>, %arg4: memref<1x8192xf32, #tpu.memory_space<vmem>>, %arg5: memref<1x1x4096xi32, #tpu.memory_space<vmem>>, %arg6: memref<1x1xf32, #tpu.memory_space<vmem>>) attributes {dimension_semantics = [#tpu.dimension_semantics<arbitrary>], iteration_bounds = array<i64: 4>, scalar_prefetch = 0 : i64, scratch_operands = 0 : i64, tpu.core_type = #tpu.core_type<tc>, window_params = [{transform_indices = @transform_0, window_bounds = array<i64: 4096, 64>}, {pipeline_mode = #tpu.pipeline_mode<synchronous>, transform_indices = @transform_1, window_bounds = array<i64: 8192, 64>}, {transform_indices = @transform_2, window_bounds = array<i64: 4096, 1>}, {pipeline_mode = #tpu.pipeline_mode<synchronous>, transform_indices = @transform_3, window_bounds = array<i64: 1, 8192>}, {transform_indices = @transform_4, window_bounds = array<i64: 1, 1, 4096>}, {pipeline_mode = #tpu.pipeline_mode<synchronous>, transform_indices = @transform_5, window_bounds = array<i64: 1, 1>}]} {
    %get3A = arith.constant 0 : index
    %get3A_0 = arith.constant 0 : index
    %get3A_1 = vector.load %arg1[%get3A, %get3A_0] : memref<4096x64xbf16, #tpu.memory_space<vmem>>, vector<4096x64xbf16>
    %get3A_2 = arith.constant 0 : index
    %get3A_3 = arith.constant 0 : index
    %get3A_4 = vector.load %arg3[%get3A_2, %get3A_3] : memref<4096x1xf32, #tpu.memory_space<vmem>>, vector<4096x1xf32>
    %iota3A = tpu.iota {dimensions = array<i32: 1>} : vector<4096x128xi32>
    %broadcast_in_dim3A = arith.constant 0x7F800000 : f32
    %broadcast_in_dim3A_5 = vector.broadcast %broadcast_in_dim3A : f32 to vector<4096x128xf32>
    %broadcast_in_dim3A_6 = arith.constant 0 : i32
    %broadcast_in_dim3A_7 = vector.broadcast %broadcast_in_dim3A_6 : i32 to vector<4096x128xi32>
    %get3A_8 = arith.constant 0 : index
    %get3A_9 = arith.constant 0 : index
    %get3A_10 = vector.load %arg2[%get3A_8, %get3A_9] : memref<8192x64xbf16, #tpu.memory_space<vmem>>, vector<512x64xbf16>
    %get3A_11 = arith.constant 0 : index
    %get3A_12 = arith.constant 0 : index
    %get3A_13 = vector.load %arg4[%get3A_11, %get3A_12] : memref<1x8192xf32, #tpu.memory_space<vmem>>, vector<1x512xf32>
    %dot_general3A = arith.constant dense<0.000000e+00> : vector<4096x512xf32>
    %dot_general3A_14 = tpu.matmul %get3A_1, %get3A_10, %dot_general3A {dimension_numbers = #tpu.dot_dimension_numbers<[1], [1], [0], [0], [0, 0, 1, 0], [], []>, transpose_lhs_hint = false} : vector<4096x64xbf16>, vector<512x64xbf16>, vector<4096x512xf32> -> vector<4096x512xf32>
    %add3A = vector.broadcast %get3A_4 : vector<4096x1xf32> to vector<4096x512xf32>
    %add3A_15 = vector.broadcast %get3A_13 : vector<1x512xf32> to vector<4096x512xf32>
    %add3A_16 = arith.addf %add3A, %add3A_15 : vector<4096x512xf32>
    %add3A_17 = arith.addf %add3A_16, %dot_general3A_14 : vector<4096x512xf32>
    %slice3A = vector.extract_strided_slice %add3A_17 {offsets = [0, 0], sizes = [4096, 128], strides = [1, 1]} : vector<4096x512xf32> to vector<4096x128xf32>
    %lt3A = arith.cmpf olt, %slice3A, %broadcast_in_dim3A_5 : vector<4096x128xf32>
    %select_n3A = arith.select %lt3A, %slice3A, %broadcast_in_dim3A_5 : vector<4096x128xi1>, vector<4096x128xf32>
    %jit3A = arith.constant 0 : i32
    %broadcast_in_dim3A_18 = vector.broadcast %jit3A : i32 to vector<4096x128xi32>
    %select_n3A_19 = arith.select %lt3A, %broadcast_in_dim3A_18, %broadcast_in_dim3A_7 : vector<4096x128xi1>, vector<4096x128xi32>
    %slice3A_20 = vector.extract_strided_slice %add3A_17 {offsets = [0, 128], sizes = [4096, 128], strides = [1, 1]} : vector<4096x512xf32> to vector<4096x128xf32>
    %lt3A_21 = arith.cmpf olt, %slice3A_20, %select_n3A : vector<4096x128xf32>
    %select_n3A_22 = arith.select %lt3A_21, %slice3A_20, %select_n3A : vector<4096x128xi1>, vector<4096x128xf32>
    %jit3A_23 = arith.constant 1 : i32
    %broadcast_in_dim3A_24 = vector.broadcast %jit3A_23 : i32 to vector<4096x128xi32>
    %select_n3A_25 = arith.select %lt3A_21, %broadcast_in_dim3A_24, %select_n3A_19 : vector<4096x128xi1>, vector<4096x128xi32>
    %slice3A_26 = vector.extract_strided_slice %add3A_17 {offsets = [0, 256], sizes = [4096, 128], strides = [1, 1]} : vector<4096x512xf32> to vector<4096x128xf32>
    %lt3A_27 = arith.cmpf olt, %slice3A_26, %select_n3A_22 : vector<4096x128xf32>
    %select_n3A_28 = arith.select %lt3A_27, %slice3A_26, %select_n3A_22 : vector<4096x128xi1>, vector<4096x128xf32>
    %jit3A_29 = arith.constant 2 : i32
    %broadcast_in_dim3A_30 = vector.broadcast %jit3A_29 : i32 to vector<4096x128xi32>
    %select_n3A_31 = arith.select %lt3A_27, %broadcast_in_dim3A_30, %select_n3A_25 : vector<4096x128xi1>, vector<4096x128xi32>
    %slice3A_32 = vector.extract_strided_slice %add3A_17 {offsets = [0, 384], sizes = [4096, 128], strides = [1, 1]} : vector<4096x512xf32> to vector<4096x128xf32>
    %lt3A_33 = arith.cmpf olt, %slice3A_32, %select_n3A_28 : vector<4096x128xf32>
    %select_n3A_34 = arith.select %lt3A_33, %slice3A_32, %select_n3A_28 : vector<4096x128xi1>, vector<4096x128xf32>
    %jit3A_35 = arith.constant 3 : i32
    %broadcast_in_dim3A_36 = vector.broadcast %jit3A_35 : i32 to vector<4096x128xi32>
    %select_n3A_37 = arith.select %lt3A_33, %broadcast_in_dim3A_36, %select_n3A_31 : vector<4096x128xi1>, vector<4096x128xi32>
    %get3A_38 = arith.constant 512 : index
    %get3A_39 = arith.constant 0 : index
    %get3A_40 = vector.load %arg2[%get3A_38, %get3A_39] : memref<8192x64xbf16, #tpu.memory_space<vmem>>, vector<512x64xbf16>
    %get3A_41 = arith.constant 0 : index
    %get3A_42 = arith.constant 512 : index
    %get3A_43 = vector.load %arg4[%get3A_41, %get3A_42] : memref<1x8192xf32, #tpu.memory_space<vmem>>, vector<1x512xf32>
    %dot_general3A_44 = arith.constant dense<0.000000e+00> : vector<4096x512xf32>
    %dot_general3A_45 = tpu.matmul %get3A_1, %get3A_40, %dot_general3A_44 {dimension_numbers = #tpu.dot_dimension_numbers<[1], [1], [0], [0], [0, 0, 1, 0], [], []>, transpose_lhs_hint = false} : vector<4096x64xbf16>, vector<512x64xbf16>, vector<4096x512xf32> -> vector<4096x512xf32>
    %add3A_46 = vector.broadcast %get3A_4 : vector<4096x1xf32> to vector<4096x512xf32>
    %add3A_47 = vector.broadcast %get3A_43 : vector<1x512xf32> to vector<4096x512xf32>
    %add3A_48 = arith.addf %add3A_46, %add3A_47 : vector<4096x512xf32>
    %add3A_49 = arith.addf %add3A_48, %dot_general3A_45 : vector<4096x512xf32>
    %slice3A_50 = vector.extract_strided_slice %add3A_49 {offsets = [0, 0], sizes = [4096, 128], strides = [1, 1]} : vector<4096x512xf32> to vector<4096x128xf32>
    %lt3A_51 = arith.cmpf olt, %slice3A_50, %select_n3A_34 : vector<4096x128xf32>
    %select_n3A_52 = arith.select %lt3A_51, %slice3A_50, %select_n3A_34 : vector<4096x128xi1>, vector<4096x128xf32>
    %jit3A_53 = arith.constant 4 : i32
    %broadcast_in_dim3A_54 = vector.broadcast %jit3A_53 : i32 to vector<4096x128xi32>
    %select_n3A_55 = arith.select %lt3A_51, %broadcast_in_dim3A_54, %select_n3A_37 : vector<4096x128xi1>, vector<4096x128xi32>
    %slice3A_56 = vector.extract_strided_slice %add3A_49 {offsets = [0, 128], sizes = [4096, 128], strides = [1, 1]} : vector<4096x512xf32> to vector<4096x128xf32>
    %lt3A_57 = arith.cmpf olt, %slice3A_56, %select_n3A_52 : vector<4096x128xf32>
    %select_n3A_58 = arith.select %lt3A_57, %slice3A_56, %select_n3A_52 : vector<4096x128xi1>, vector<4096x128xf32>
    %jit3A_59 = arith.constant 5 : i32
    %broadcast_in_dim3A_60 = vector.broadcast %jit3A_59 : i32 to vector<4096x128xi32>
    %select_n3A_61 = arith.select %lt3A_57, %broadcast_in_dim3A_60, %select_n3A_55 : vector<4096x128xi1>, vector<4096x128xi32>
    %slice3A_62 = vector.extract_strided_slice %add3A_49 {offsets = [0, 256], sizes = [4096, 128], strides = [1, 1]} : vector<4096x512xf32> to vector<4096x128xf32>
    %lt3A_63 = arith.cmpf olt, %slice3A_62, %select_n3A_58 : vector<4096x128xf32>
    %select_n3A_64 = arith.select %lt3A_63, %slice3A_62, %select_n3A_58 : vector<4096x128xi1>, vector<4096x128xf32>
    %jit3A_65 = arith.constant 6 : i32
    %broadcast_in_dim3A_66 = vector.broadcast %jit3A_65 : i32 to vector<4096x128xi32>
    %select_n3A_67 = arith.select %lt3A_63, %broadcast_in_dim3A_66, %select_n3A_61 : vector<4096x128xi1>, vector<4096x128xi32>
    %slice3A_68 = vector.extract_strided_slice %add3A_49 {offsets = [0, 384], sizes = [4096, 128], strides = [1, 1]} : vector<4096x512xf32> to vector<4096x128xf32>
    %lt3A_69 = arith.cmpf olt, %slice3A_68, %select_n3A_64 : vector<4096x128xf32>
    %select_n3A_70 = arith.select %lt3A_69, %slice3A_68, %select_n3A_64 : vector<4096x128xi1>, vector<4096x128xf32>
    %jit3A_71 = arith.constant 7 : i32
    %broadcast_in_dim3A_72 = vector.broadcast %jit3A_71 : i32 to vector<4096x128xi32>
    %select_n3A_73 = arith.select %lt3A_69, %broadcast_in_dim3A_72, %select_n3A_67 : vector<4096x128xi1>, vector<4096x128xi32>
    %get3A_74 = arith.constant 1024 : index
    %get3A_75 = arith.constant 0 : index
    %get3A_76 = vector.load %arg2[%get3A_74, %get3A_75] : memref<8192x64xbf16, #tpu.memory_space<vmem>>, vector<512x64xbf16>
    %get3A_77 = arith.constant 0 : index
    %get3A_78 = arith.constant 1024 : index
    %get3A_79 = vector.load %arg4[%get3A_77, %get3A_78] : memref<1x8192xf32, #tpu.memory_space<vmem>>, vector<1x512xf32>
    %dot_general3A_80 = arith.constant dense<0.000000e+00> : vector<4096x512xf32>
    %dot_general3A_81 = tpu.matmul %get3A_1, %get3A_76, %dot_general3A_80 {dimension_numbers = #tpu.dot_dimension_numbers<[1], [1], [0], [0], [0, 0, 1, 0], [], []>, transpose_lhs_hint = false} : vector<4096x64xbf16>, vector<512x64xbf16>, vector<4096x512xf32> -> vector<4096x512xf32>
    %add3A_82 = vector.broadcast %get3A_4 : vector<4096x1xf32> to vector<4096x512xf32>
    %add3A_83 = vector.broadcast %get3A_79 : vector<1x512xf32> to vector<4096x512xf32>
    %add3A_84 = arith.addf %add3A_82, %add3A_83 : vector<4096x512xf32>
    %add3A_85 = arith.addf %add3A_84, %dot_general3A_81 : vector<4096x512xf32>
    %slice3A_86 = vector.extract_strided_slice %add3A_85 {offsets = [0, 0], sizes = [4096, 128], strides = [1, 1]} : vector<4096x512xf32> to vector<4096x128xf32>
    %lt3A_87 = arith.cmpf olt, %slice3A_86, %select_n3A_70 : vector<4096x128xf32>
    %select_n3A_88 = arith.select %lt3A_87, %slice3A_86, %select_n3A_70 : vector<4096x128xi1>, vector<4096x128xf32>
    %jit3A_89 = arith.constant 8 : i32
    %broadcast_in_dim3A_90 = vector.broadcast %jit3A_89 : i32 to vector<4096x128xi32>
    %select_n3A_91 = arith.select %lt3A_87, %broadcast_in_dim3A_90, %select_n3A_73 : vector<4096x128xi1>, vector<4096x128xi32>
    %slice3A_92 = vector.extract_strided_slice %add3A_85 {offsets = [0, 128], sizes = [4096, 128], strides = [1, 1]} : vector<4096x512xf32> to vector<4096x128xf32>
    %lt3A_93 = arith.cmpf olt, %slice3A_92, %select_n3A_88 : vector<4096x128xf32>
    %select_n3A_94 = arith.select %lt3A_93, %slice3A_92, %select_n3A_88 : vector<4096x128xi1>, vector<4096x128xf32>
    %jit3A_95 = arith.constant 9 : i32
    %broadcast_in_dim3A_96 = vector.broadcast %jit3A_95 : i32 to vector<4096x128xi32>
    %select_n3A_97 = arith.select %lt3A_93, %broadcast_in_dim3A_96, %select_n3A_91 : vector<4096x128xi1>, vector<4096x128xi32>
    %slice3A_98 = vector.extract_strided_slice %add3A_85 {offsets = [0, 256], sizes = [4096, 128], strides = [1, 1]} : vector<4096x512xf32> to vector<4096x128xf32>
    %lt3A_99 = arith.cmpf olt, %slice3A_98, %select_n3A_94 : vector<4096x128xf32>
    %select_n3A_100 = arith.select %lt3A_99, %slice3A_98, %select_n3A_94 : vector<4096x128xi1>, vector<4096x128xf32>
    %jit3A_101 = arith.constant 10 : i32
    %broadcast_in_dim3A_102 = vector.broadcast %jit3A_101 : i32 to vector<4096x128xi32>
    %select_n3A_103 = arith.select %lt3A_99, %broadcast_in_dim3A_102, %select_n3A_97 : vector<4096x128xi1>, vector<4096x128xi32>
    %slice3A_104 = vector.extract_strided_slice %add3A_85 {offsets = [0, 384], sizes = [4096, 128], strides = [1, 1]} : vector<4096x512xf32> to vector<4096x128xf32>
    %lt3A_105 = arith.cmpf olt, %slice3A_104, %select_n3A_100 : vector<4096x128xf32>
    %select_n3A_106 = arith.select %lt3A_105, %slice3A_104, %select_n3A_100 : vector<4096x128xi1>, vector<4096x128xf32>
    %jit3A_107 = arith.constant 11 : i32
    %broadcast_in_dim3A_108 = vector.broadcast %jit3A_107 : i32 to vector<4096x128xi32>
    %select_n3A_109 = arith.select %lt3A_105, %broadcast_in_dim3A_108, %select_n3A_103 : vector<4096x128xi1>, vector<4096x128xi32>
    %get3A_110 = arith.constant 1536 : index
    %get3A_111 = arith.constant 0 : index
    %get3A_112 = vector.load %arg2[%get3A_110, %get3A_111] : memref<8192x64xbf16, #tpu.memory_space<vmem>>, vector<512x64xbf16>
    %get3A_113 = arith.constant 0 : index
    %get3A_114 = arith.constant 1536 : index
    %get3A_115 = vector.load %arg4[%get3A_113, %get3A_114] : memref<1x8192xf32, #tpu.memory_space<vmem>>, vector<1x512xf32>
    %dot_general3A_116 = arith.constant dense<0.000000e+00> : vector<4096x512xf32>
    %dot_general3A_117 = tpu.matmul %get3A_1, %get3A_112, %dot_general3A_116 {dimension_numbers = #tpu.dot_dimension_numbers<[1], [1], [0], [0], [0, 0, 1, 0], [], []>, transpose_lhs_hint = false} : vector<4096x64xbf16>, vector<512x64xbf16>, vector<4096x512xf32> -> vector<4096x512xf32>
    %add3A_118 = vector.broadcast %get3A_4 : vector<4096x1xf32> to vector<4096x512xf32>
    %add3A_119 = vector.broadcast %get3A_115 : vector<1x512xf32> to vector<4096x512xf32>
    %add3A_120 = arith.addf %add3A_118, %add3A_119 : vector<4096x512xf32>
    %add3A_121 = arith.addf %add3A_120, %dot_general3A_117 : vector<4096x512xf32>
    %slice3A_122 = vector.extract_strided_slice %add3A_121 {offsets = [0, 0], sizes = [4096, 128], strides = [1, 1]} : vector<4096x512xf32> to vector<4096x128xf32>
    %lt3A_123 = arith.cmpf olt, %slice3A_122, %select_n3A_106 : vector<4096x128xf32>
    %select_n3A_124 = arith.select %lt3A_123, %slice3A_122, %select_n3A_106 : vector<4096x128xi1>, vector<4096x128xf32>
    %jit3A_125 = arith.constant 12 : i32
    %broadcast_in_dim3A_126 = vector.broadcast %jit3A_125 : i32 to vector<4096x128xi32>
    %select_n3A_127 = arith.select %lt3A_123, %broadcast_in_dim3A_126, %select_n3A_109 : vector<4096x128xi1>, vector<4096x128xi32>
    %slice3A_128 = vector.extract_strided_slice %add3A_121 {offsets = [0, 128], sizes = [4096, 128], strides = [1, 1]} : vector<4096x512xf32> to vector<4096x128xf32>
    %lt3A_129 = arith.cmpf olt, %slice3A_128, %select_n3A_124 : vector<4096x128xf32>
    %select_n3A_130 = arith.select %lt3A_129, %slice3A_128, %select_n3A_124 : vector<4096x128xi1>, vector<4096x128xf32>
    %jit3A_131 = arith.constant 13 : i32
    %broadcast_in_dim3A_132 = vector.broadcast %jit3A_131 : i32 to vector<4096x128xi32>
    %select_n3A_133 = arith.select %lt3A_129, %broadcast_in_dim3A_132, %select_n3A_127 : vector<4096x128xi1>, vector<4096x128xi32>
    %slice3A_134 = vector.extract_strided_slice %add3A_121 {offsets = [0, 256], sizes = [4096, 128], strides = [1, 1]} : vector<4096x512xf32> to vector<4096x128xf32>
    %lt3A_135 = arith.cmpf olt, %slice3A_134, %select_n3A_130 : vector<4096x128xf32>
    %select_n3A_136 = arith.select %lt3A_135, %slice3A_134, %select_n3A_130 : vector<4096x128xi1>, vector<4096x128xf32>
    %jit3A_137 = arith.constant 14 : i32
    %broadcast_in_dim3A_138 = vector.broadcast %jit3A_137 : i32 to vector<4096x128xi32>
    %select_n3A_139 = arith.select %lt3A_135, %broadcast_in_dim3A_138, %select_n3A_133 : vector<4096x128xi1>, vector<4096x128xi32>
    %slice3A_140 = vector.extract_strided_slice %add3A_121 {offsets = [0, 384], sizes = [4096, 128], strides = [1, 1]} : vector<4096x512xf32> to vector<4096x128xf32>
    %lt3A_141 = arith.cmpf olt, %slice3A_140, %select_n3A_136 : vector<4096x128xf32>
    %select_n3A_142 = arith.select %lt3A_141, %slice3A_140, %select_n3A_136 : vector<4096x128xi1>, vector<4096x128xf32>
    %jit3A_143 = arith.constant 15 : i32
    %broadcast_in_dim3A_144 = vector.broadcast %jit3A_143 : i32 to vector<4096x128xi32>
    %select_n3A_145 = arith.select %lt3A_141, %broadcast_in_dim3A_144, %select_n3A_139 : vector<4096x128xi1>, vector<4096x128xi32>
    %get3A_146 = arith.constant 2048 : index
    %get3A_147 = arith.constant 0 : index
    %get3A_148 = vector.load %arg2[%get3A_146, %get3A_147] : memref<8192x64xbf16, #tpu.memory_space<vmem>>, vector<512x64xbf16>
    %get3A_149 = arith.constant 0 : index
    %get3A_150 = arith.constant 2048 : index
    %get3A_151 = vector.load %arg4[%get3A_149, %get3A_150] : memref<1x8192xf32, #tpu.memory_space<vmem>>, vector<1x512xf32>
    %dot_general3A_152 = arith.constant dense<0.000000e+00> : vector<4096x512xf32>
    %dot_general3A_153 = tpu.matmul %get3A_1, %get3A_148, %dot_general3A_152 {dimension_numbers = #tpu.dot_dimension_numbers<[1], [1], [0], [0], [0, 0, 1, 0], [], []>, transpose_lhs_hint = false} : vector<4096x64xbf16>, vector<512x64xbf16>, vector<4096x512xf32> -> vector<4096x512xf32>
    %add3A_154 = vector.broadcast %get3A_4 : vector<4096x1xf32> to vector<4096x512xf32>
    %add3A_155 = vector.broadcast %get3A_151 : vector<1x512xf32> to vector<4096x512xf32>
    %add3A_156 = arith.addf %add3A_154, %add3A_155 : vector<4096x512xf32>
    %add3A_157 = arith.addf %add3A_156, %dot_general3A_153 : vector<4096x512xf32>
    %slice3A_158 = vector.extract_strided_slice %add3A_157 {offsets = [0, 0], sizes = [4096, 128], strides = [1, 1]} : vector<4096x512xf32> to vector<4096x128xf32>
    %lt3A_159 = arith.cmpf olt, %slice3A_158, %select_n3A_142 : vector<4096x128xf32>
    %select_n3A_160 = arith.select %lt3A_159, %slice3A_158, %select_n3A_142 : vector<4096x128xi1>, vector<4096x128xf32>
    %jit3A_161 = arith.constant 16 : i32
    %broadcast_in_dim3A_162 = vector.broadcast %jit3A_161 : i32 to vector<4096x128xi32>
    %select_n3A_163 = arith.select %lt3A_159, %broadcast_in_dim3A_162, %select_n3A_145 : vector<4096x128xi1>, vector<4096x128xi32>
    %slice3A_164 = vector.extract_strided_slice %add3A_157 {offsets = [0, 128], sizes = [4096, 128], strides = [1, 1]} : vector<4096x512xf32> to vector<4096x128xf32>
    %lt3A_165 = arith.cmpf olt, %slice3A_164, %select_n3A_160 : vector<4096x128xf32>
    %select_n3A_166 = arith.select %lt3A_165, %slice3A_164, %select_n3A_160 : vector<4096x128xi1>, vector<4096x128xf32>
    %jit3A_167 = arith.constant 17 : i32
    %broadcast_in_dim3A_168 = vector.broadcast %jit3A_167 : i32 to vector<4096x128xi32>
    %select_n3A_169 = arith.select %lt3A_165, %broadcast_in_dim3A_168, %select_n3A_163 : vector<4096x128xi1>, vector<4096x128xi32>
    %slice3A_170 = vector.extract_strided_slice %add3A_157 {offsets = [0, 256], sizes = [4096, 128], strides = [1, 1]} : vector<4096x512xf32> to vector<4096x128xf32>
    %lt3A_171 = arith.cmpf olt, %slice3A_170, %select_n3A_166 : vector<4096x128xf32>
    %select_n3A_172 = arith.select %lt3A_171, %slice3A_170, %select_n3A_166 : vector<4096x128xi1>, vector<4096x128xf32>
    %jit3A_173 = arith.constant 18 : i32
    %broadcast_in_dim3A_174 = vector.broadcast %jit3A_173 : i32 to vector<4096x128xi32>
    %select_n3A_175 = arith.select %lt3A_171, %broadcast_in_dim3A_174, %select_n3A_169 : vector<4096x128xi1>, vector<4096x128xi32>
    %slice3A_176 = vector.extract_strided_slice %add3A_157 {offsets = [0, 384], sizes = [4096, 128], strides = [1, 1]} : vector<4096x512xf32> to vector<4096x128xf32>
    %lt3A_177 = arith.cmpf olt, %slice3A_176, %select_n3A_172 : vector<4096x128xf32>
    %select_n3A_178 = arith.select %lt3A_177, %slice3A_176, %select_n3A_172 : vector<4096x128xi1>, vector<4096x128xf32>
    %jit3A_179 = arith.constant 19 : i32
    %broadcast_in_dim3A_180 = vector.broadcast %jit3A_179 : i32 to vector<4096x128xi32>
    %select_n3A_181 = arith.select %lt3A_177, %broadcast_in_dim3A_180, %select_n3A_175 : vector<4096x128xi1>, vector<4096x128xi32>
    %get3A_182 = arith.constant 2560 : index
    %get3A_183 = arith.constant 0 : index
    %get3A_184 = vector.load %arg2[%get3A_182, %get3A_183] : memref<8192x64xbf16, #tpu.memory_space<vmem>>, vector<512x64xbf16>
    %get3A_185 = arith.constant 0 : index
    %get3A_186 = arith.constant 2560 : index
    %get3A_187 = vector.load %arg4[%get3A_185, %get3A_186] : memref<1x8192xf32, #tpu.memory_space<vmem>>, vector<1x512xf32>
    %dot_general3A_188 = arith.constant dense<0.000000e+00> : vector<4096x512xf32>
    %dot_general3A_189 = tpu.matmul %get3A_1, %get3A_184, %dot_general3A_188 {dimension_numbers = #tpu.dot_dimension_numbers<[1], [1], [0], [0], [0, 0, 1, 0], [], []>, transpose_lhs_hint = false} : vector<4096x64xbf16>, vector<512x64xbf16>, vector<4096x512xf32> -> vector<4096x512xf32>
    %add3A_190 = vector.broadcast %get3A_4 : vector<4096x1xf32> to vector<4096x512xf32>
    %add3A_191 = vector.broadcast %get3A_187 : vector<1x512xf32> to vector<4096x512xf32>
    %add3A_192 = arith.addf %add3A_190, %add3A_191 : vector<4096x512xf32>
    %add3A_193 = arith.addf %add3A_192, %dot_general3A_189 : vector<4096x512xf32>
    %slice3A_194 = vector.extract_strided_slice %add3A_193 {offsets = [0, 0], sizes = [4096, 128], strides = [1, 1]} : vector<4096x512xf32> to vector<4096x128xf32>
    %lt3A_195 = arith.cmpf olt, %slice3A_194, %select_n3A_178 : vector<4096x128xf32>
    %select_n3A_196 = arith.select %lt3A_195, %slice3A_194, %select_n3A_178 : vector<4096x128xi1>, vector<4096x128xf32>
    %jit3A_197 = arith.constant 20 : i32
    %broadcast_in_dim3A_198 = vector.broadcast %jit3A_197 : i32 to vector<4096x128xi32>
    %select_n3A_199 = arith.select %lt3A_195, %broadcast_in_dim3A_198, %select_n3A_181 : vector<4096x128xi1>, vector<4096x128xi32>
    %slice3A_200 = vector.extract_strided_slice %add3A_193 {offsets = [0, 128], sizes = [4096, 128], strides = [1, 1]} : vector<4096x512xf32> to vector<4096x128xf32>
    %lt3A_201 = arith.cmpf olt, %slice3A_200, %select_n3A_196 : vector<4096x128xf32>
    %select_n3A_202 = arith.select %lt3A_201, %slice3A_200, %select_n3A_196 : vector<4096x128xi1>, vector<4096x128xf32>
    %jit3A_203 = arith.constant 21 : i32
    %broadcast_in_dim3A_204 = vector.broadcast %jit3A_203 : i32 to vector<4096x128xi32>
    %select_n3A_205 = arith.select %lt3A_201, %broadcast_in_dim3A_204, %select_n3A_199 : vector<4096x128xi1>, vector<4096x128xi32>
    %slice3A_206 = vector.extract_strided_slice %add3A_193 {offsets = [0, 256], sizes = [4096, 128], strides = [1, 1]} : vector<4096x512xf32> to vector<4096x128xf32>
    %lt3A_207 = arith.cmpf olt, %slice3A_206, %select_n3A_202 : vector<4096x128xf32>
    %select_n3A_208 = arith.select %lt3A_207, %slice3A_206, %select_n3A_202 : vector<4096x128xi1>, vector<4096x128xf32>
    %jit3A_209 = arith.constant 22 : i32
    %broadcast_in_dim3A_210 = vector.broadcast %jit3A_209 : i32 to vector<4096x128xi32>
    %select_n3A_211 = arith.select %lt3A_207, %broadcast_in_dim3A_210, %select_n3A_205 : vector<4096x128xi1>, vector<4096x128xi32>
    %slice3A_212 = vector.extract_strided_slice %add3A_193 {offsets = [0, 384], sizes = [4096, 128], strides = [1, 1]} : vector<4096x512xf32> to vector<4096x128xf32>
    %lt3A_213 = arith.cmpf olt, %slice3A_212, %select_n3A_208 : vector<4096x128xf32>
    %select_n3A_214 = arith.select %lt3A_213, %slice3A_212, %select_n3A_208 : vector<4096x128xi1>, vector<4096x128xf32>
    %jit3A_215 = arith.constant 23 : i32
    %broadcast_in_dim3A_216 = vector.broadcast %jit3A_215 : i32 to vector<4096x128xi32>
    %select_n3A_217 = arith.select %lt3A_213, %broadcast_in_dim3A_216, %select_n3A_211 : vector<4096x128xi1>, vector<4096x128xi32>
    %get3A_218 = arith.constant 3072 : index
    %get3A_219 = arith.constant 0 : index
    %get3A_220 = vector.load %arg2[%get3A_218, %get3A_219] : memref<8192x64xbf16, #tpu.memory_space<vmem>>, vector<512x64xbf16>
    %get3A_221 = arith.constant 0 : index
    %get3A_222 = arith.constant 3072 : index
    %get3A_223 = vector.load %arg4[%get3A_221, %get3A_222] : memref<1x8192xf32, #tpu.memory_space<vmem>>, vector<1x512xf32>
    %dot_general3A_224 = arith.constant dense<0.000000e+00> : vector<4096x512xf32>
    %dot_general3A_225 = tpu.matmul %get3A_1, %get3A_220, %dot_general3A_224 {dimension_numbers = #tpu.dot_dimension_numbers<[1], [1], [0], [0], [0, 0, 1, 0], [], []>, transpose_lhs_hint = false} : vector<4096x64xbf16>, vector<512x64xbf16>, vector<4096x512xf32> -> vector<4096x512xf32>
    %add3A_226 = vector.broadcast %get3A_4 : vector<4096x1xf32> to vector<4096x512xf32>
    %add3A_227 = vector.broadcast %get3A_223 : vector<1x512xf32> to vector<4096x512xf32>
    %add3A_228 = arith.addf %add3A_226, %add3A_227 : vector<4096x512xf32>
    %add3A_229 = arith.addf %add3A_228, %dot_general3A_225 : vector<4096x512xf32>
    %slice3A_230 = vector.extract_strided_slice %add3A_229 {offsets = [0, 0], sizes = [4096, 128], strides = [1, 1]} : vector<4096x512xf32> to vector<4096x128xf32>
    %lt3A_231 = arith.cmpf olt, %slice3A_230, %select_n3A_214 : vector<4096x128xf32>
    %select_n3A_232 = arith.select %lt3A_231, %slice3A_230, %select_n3A_214 : vector<4096x128xi1>, vector<4096x128xf32>
    %jit3A_233 = arith.constant 24 : i32
    %broadcast_in_dim3A_234 = vector.broadcast %jit3A_233 : i32 to vector<4096x128xi32>
    %select_n3A_235 = arith.select %lt3A_231, %broadcast_in_dim3A_234, %select_n3A_217 : vector<4096x128xi1>, vector<4096x128xi32>
    %slice3A_236 = vector.extract_strided_slice %add3A_229 {offsets = [0, 128], sizes = [4096, 128], strides = [1, 1]} : vector<4096x512xf32> to vector<4096x128xf32>
    %lt3A_237 = arith.cmpf olt, %slice3A_236, %select_n3A_232 : vector<4096x128xf32>
    %select_n3A_238 = arith.select %lt3A_237, %slice3A_236, %select_n3A_232 : vector<4096x128xi1>, vector<4096x128xf32>
    %jit3A_239 = arith.constant 25 : i32
    %broadcast_in_dim3A_240 = vector.broadcast %jit3A_239 : i32 to vector<4096x128xi32>
    %select_n3A_241 = arith.select %lt3A_237, %broadcast_in_dim3A_240, %select_n3A_235 : vector<4096x128xi1>, vector<4096x128xi32>
    %slice3A_242 = vector.extract_strided_slice %add3A_229 {offsets = [0, 256], sizes = [4096, 128], strides = [1, 1]} : vector<4096x512xf32> to vector<4096x128xf32>
    %lt3A_243 = arith.cmpf olt, %slice3A_242, %select_n3A_238 : vector<4096x128xf32>
    %select_n3A_244 = arith.select %lt3A_243, %slice3A_242, %select_n3A_238 : vector<4096x128xi1>, vector<4096x128xf32>
    %jit3A_245 = arith.constant 26 : i32
    %broadcast_in_dim3A_246 = vector.broadcast %jit3A_245 : i32 to vector<4096x128xi32>
    %select_n3A_247 = arith.select %lt3A_243, %broadcast_in_dim3A_246, %select_n3A_241 : vector<4096x128xi1>, vector<4096x128xi32>
    %slice3A_248 = vector.extract_strided_slice %add3A_229 {offsets = [0, 384], sizes = [4096, 128], strides = [1, 1]} : vector<4096x512xf32> to vector<4096x128xf32>
    %lt3A_249 = arith.cmpf olt, %slice3A_248, %select_n3A_244 : vector<4096x128xf32>
    %select_n3A_250 = arith.select %lt3A_249, %slice3A_248, %select_n3A_244 : vector<4096x128xi1>, vector<4096x128xf32>
    %jit3A_251 = arith.constant 27 : i32
    %broadcast_in_dim3A_252 = vector.broadcast %jit3A_251 : i32 to vector<4096x128xi32>
    %select_n3A_253 = arith.select %lt3A_249, %broadcast_in_dim3A_252, %select_n3A_247 : vector<4096x128xi1>, vector<4096x128xi32>
    %get3A_254 = arith.constant 3584 : index
    %get3A_255 = arith.constant 0 : index
    %get3A_256 = vector.load %arg2[%get3A_254, %get3A_255] : memref<8192x64xbf16, #tpu.memory_space<vmem>>, vector<512x64xbf16>
    %get3A_257 = arith.constant 0 : index
    %get3A_258 = arith.constant 3584 : index
    %get3A_259 = vector.load %arg4[%get3A_257, %get3A_258] : memref<1x8192xf32, #tpu.memory_space<vmem>>, vector<1x512xf32>
    %dot_general3A_260 = arith.constant dense<0.000000e+00> : vector<4096x512xf32>
    %dot_general3A_261 = tpu.matmul %get3A_1, %get3A_256, %dot_general3A_260 {dimension_numbers = #tpu.dot_dimension_numbers<[1], [1], [0], [0], [0, 0, 1, 0], [], []>, transpose_lhs_hint = false} : vector<4096x64xbf16>, vector<512x64xbf16>, vector<4096x512xf32> -> vector<4096x512xf32>
    %add3A_262 = vector.broadcast %get3A_4 : vector<4096x1xf32> to vector<4096x512xf32>
    %add3A_263 = vector.broadcast %get3A_259 : vector<1x512xf32> to vector<4096x512xf32>
    %add3A_264 = arith.addf %add3A_262, %add3A_263 : vector<4096x512xf32>
    %add3A_265 = arith.addf %add3A_264, %dot_general3A_261 : vector<4096x512xf32>
    %slice3A_266 = vector.extract_strided_slice %add3A_265 {offsets = [0, 0], sizes = [4096, 128], strides = [1, 1]} : vector<4096x512xf32> to vector<4096x128xf32>
    %lt3A_267 = arith.cmpf olt, %slice3A_266, %select_n3A_250 : vector<4096x128xf32>
    %select_n3A_268 = arith.select %lt3A_267, %slice3A_266, %select_n3A_250 : vector<4096x128xi1>, vector<4096x128xf32>
    %jit3A_269 = arith.constant 28 : i32
    %broadcast_in_dim3A_270 = vector.broadcast %jit3A_269 : i32 to vector<4096x128xi32>
    %select_n3A_271 = arith.select %lt3A_267, %broadcast_in_dim3A_270, %select_n3A_253 : vector<4096x128xi1>, vector<4096x128xi32>
    %slice3A_272 = vector.extract_strided_slice %add3A_265 {offsets = [0, 128], sizes = [4096, 128], strides = [1, 1]} : vector<4096x512xf32> to vector<4096x128xf32>
    %lt3A_273 = arith.cmpf olt, %slice3A_272, %select_n3A_268 : vector<4096x128xf32>
    %select_n3A_274 = arith.select %lt3A_273, %slice3A_272, %select_n3A_268 : vector<4096x128xi1>, vector<4096x128xf32>
    %jit3A_275 = arith.constant 29 : i32
    %broadcast_in_dim3A_276 = vector.broadcast %jit3A_275 : i32 to vector<4096x128xi32>
    %select_n3A_277 = arith.select %lt3A_273, %broadcast_in_dim3A_276, %select_n3A_271 : vector<4096x128xi1>, vector<4096x128xi32>
    %slice3A_278 = vector.extract_strided_slice %add3A_265 {offsets = [0, 256], sizes = [4096, 128], strides = [1, 1]} : vector<4096x512xf32> to vector<4096x128xf32>
    %lt3A_279 = arith.cmpf olt, %slice3A_278, %select_n3A_274 : vector<4096x128xf32>
    %select_n3A_280 = arith.select %lt3A_279, %slice3A_278, %select_n3A_274 : vector<4096x128xi1>, vector<4096x128xf32>
    %jit3A_281 = arith.constant 30 : i32
    %broadcast_in_dim3A_282 = vector.broadcast %jit3A_281 : i32 to vector<4096x128xi32>
    %select_n3A_283 = arith.select %lt3A_279, %broadcast_in_dim3A_282, %select_n3A_277 : vector<4096x128xi1>, vector<4096x128xi32>
    %slice3A_284 = vector.extract_strided_slice %add3A_265 {offsets = [0, 384], sizes = [4096, 128], strides = [1, 1]} : vector<4096x512xf32> to vector<4096x128xf32>
    %lt3A_285 = arith.cmpf olt, %slice3A_284, %select_n3A_280 : vector<4096x128xf32>
    %select_n3A_286 = arith.select %lt3A_285, %slice3A_284, %select_n3A_280 : vector<4096x128xi1>, vector<4096x128xf32>
    %jit3A_287 = arith.constant 31 : i32
    %broadcast_in_dim3A_288 = vector.broadcast %jit3A_287 : i32 to vector<4096x128xi32>
    %select_n3A_289 = arith.select %lt3A_285, %broadcast_in_dim3A_288, %select_n3A_283 : vector<4096x128xi1>, vector<4096x128xi32>
    %reduce_min3A = arith.constant dense<0x7F800000> : vector<4096xf32>
    %reduce_min3A_290 = vector.multi_reduction <minimumf>, %select_n3A_286, %reduce_min3A [1] : vector<4096x128xf32> to vector<4096xf32>
    %mul3A = arith.constant 128 : i32
    %mul3A_291 = vector.broadcast %mul3A : i32 to vector<4096x128xi32>
    %mul3A_292 = arith.muli %select_n3A_289, %mul3A_291 : vector<4096x128xi32>
    %add3A_293 = arith.addi %mul3A_292, %iota3A : vector<4096x128xi32>
    %broadcast_in_dim3A_294 = vector.shape_cast %reduce_min3A_290 : vector<4096xf32> to vector<4096x1xf32>
    %eq3A = vector.broadcast %broadcast_in_dim3A_294 : vector<4096x1xf32> to vector<4096x128xf32>
    %eq3A_295 = arith.cmpf oeq, %select_n3A_286, %eq3A : vector<4096x128xf32>
    %jit3A_296 = arith.constant 8192 : i32
    %broadcast_in_dim3A_297 = vector.broadcast %jit3A_296 : i32 to vector<4096x128xi32>
    %select_n3A_298 = arith.select %eq3A_295, %add3A_293, %broadcast_in_dim3A_297 : vector<4096x128xi1>, vector<4096x128xi32>
    %reduce_min3A_299 = arith.constant dense<2147483647> : vector<4096xi32>
    %reduce_min3A_300 = vector.multi_reduction <minsi>, %select_n3A_298, %reduce_min3A_299 [1] : vector<4096x128xi32> to vector<4096xi32>
    %broadcast_in_dim3A_301 = arith.constant 0x7F800000 : f32
    %broadcast_in_dim3A_302 = vector.broadcast %broadcast_in_dim3A_301 : f32 to vector<4096x128xf32>
    %broadcast_in_dim3A_303 = arith.constant 0 : i32
    %broadcast_in_dim3A_304 = vector.broadcast %broadcast_in_dim3A_303 : i32 to vector<4096x128xi32>
    %get3A_305 = arith.constant 4096 : index
    %get3A_306 = arith.constant 0 : index
    %get3A_307 = vector.load %arg2[%get3A_305, %get3A_306] : memref<8192x64xbf16, #tpu.memory_space<vmem>>, vector<512x64xbf16>
    %get3A_308 = arith.constant 0 : index
    %get3A_309 = arith.constant 4096 : index
    %get3A_310 = vector.load %arg4[%get3A_308, %get3A_309] : memref<1x8192xf32, #tpu.memory_space<vmem>>, vector<1x512xf32>
    %dot_general3A_311 = arith.constant dense<0.000000e+00> : vector<4096x512xf32>
    %dot_general3A_312 = tpu.matmul %get3A_1, %get3A_307, %dot_general3A_311 {dimension_numbers = #tpu.dot_dimension_numbers<[1], [1], [0], [0], [0, 0, 1, 0], [], []>, transpose_lhs_hint = false} : vector<4096x64xbf16>, vector<512x64xbf16>, vector<4096x512xf32> -> vector<4096x512xf32>
    %add3A_313 = vector.broadcast %get3A_4 : vector<4096x1xf32> to vector<4096x512xf32>
    %add3A_314 = vector.broadcast %get3A_310 : vector<1x512xf32> to vector<4096x512xf32>
    %add3A_315 = arith.addf %add3A_313, %add3A_314 : vector<4096x512xf32>
    %add3A_316 = arith.addf %add3A_315, %dot_general3A_312 : vector<4096x512xf32>
    %slice3A_317 = vector.extract_strided_slice %add3A_316 {offsets = [0, 0], sizes = [4096, 128], strides = [1, 1]} : vector<4096x512xf32> to vector<4096x128xf32>
    %lt3A_318 = arith.cmpf olt, %slice3A_317, %broadcast_in_dim3A_302 : vector<4096x128xf32>
    %select_n3A_319 = arith.select %lt3A_318, %slice3A_317, %broadcast_in_dim3A_302 : vector<4096x128xi1>, vector<4096x128xf32>
    %jit3A_320 = arith.constant 32 : i32
    %broadcast_in_dim3A_321 = vector.broadcast %jit3A_320 : i32 to vector<4096x128xi32>
    %select_n3A_322 = arith.select %lt3A_318, %broadcast_in_dim3A_321, %broadcast_in_dim3A_304 : vector<4096x128xi1>, vector<4096x128xi32>
    %slice3A_323 = vector.extract_strided_slice %add3A_316 {offsets = [0, 128], sizes = [4096, 128], strides = [1, 1]} : vector<4096x512xf32> to vector<4096x128xf32>
    %lt3A_324 = arith.cmpf olt, %slice3A_323, %select_n3A_319 : vector<4096x128xf32>
    %select_n3A_325 = arith.select %lt3A_324, %slice3A_323, %select_n3A_319 : vector<4096x128xi1>, vector<4096x128xf32>
    %jit3A_326 = arith.constant 33 : i32
    %broadcast_in_dim3A_327 = vector.broadcast %jit3A_326 : i32 to vector<4096x128xi32>
    %select_n3A_328 = arith.select %lt3A_324, %broadcast_in_dim3A_327, %select_n3A_322 : vector<4096x128xi1>, vector<4096x128xi32>
    %slice3A_329 = vector.extract_strided_slice %add3A_316 {offsets = [0, 256], sizes = [4096, 128], strides = [1, 1]} : vector<4096x512xf32> to vector<4096x128xf32>
    %lt3A_330 = arith.cmpf olt, %slice3A_329, %select_n3A_325 : vector<4096x128xf32>
    %select_n3A_331 = arith.select %lt3A_330, %slice3A_329, %select_n3A_325 : vector<4096x128xi1>, vector<4096x128xf32>
    %jit3A_332 = arith.constant 34 : i32
    %broadcast_in_dim3A_333 = vector.broadcast %jit3A_332 : i32 to vector<4096x128xi32>
    %select_n3A_334 = arith.select %lt3A_330, %broadcast_in_dim3A_333, %select_n3A_328 : vector<4096x128xi1>, vector<4096x128xi32>
    %slice3A_335 = vector.extract_strided_slice %add3A_316 {offsets = [0, 384], sizes = [4096, 128], strides = [1, 1]} : vector<4096x512xf32> to vector<4096x128xf32>
    %lt3A_336 = arith.cmpf olt, %slice3A_335, %select_n3A_331 : vector<4096x128xf32>
    %select_n3A_337 = arith.select %lt3A_336, %slice3A_335, %select_n3A_331 : vector<4096x128xi1>, vector<4096x128xf32>
    %jit3A_338 = arith.constant 35 : i32
    %broadcast_in_dim3A_339 = vector.broadcast %jit3A_338 : i32 to vector<4096x128xi32>
    %select_n3A_340 = arith.select %lt3A_336, %broadcast_in_dim3A_339, %select_n3A_334 : vector<4096x128xi1>, vector<4096x128xi32>
    %get3A_341 = arith.constant 4608 : index
    %get3A_342 = arith.constant 0 : index
    %get3A_343 = vector.load %arg2[%get3A_341, %get3A_342] : memref<8192x64xbf16, #tpu.memory_space<vmem>>, vector<512x64xbf16>
    %get3A_344 = arith.constant 0 : index
    %get3A_345 = arith.constant 4608 : index
    %get3A_346 = vector.load %arg4[%get3A_344, %get3A_345] : memref<1x8192xf32, #tpu.memory_space<vmem>>, vector<1x512xf32>
    %dot_general3A_347 = arith.constant dense<0.000000e+00> : vector<4096x512xf32>
    %dot_general3A_348 = tpu.matmul %get3A_1, %get3A_343, %dot_general3A_347 {dimension_numbers = #tpu.dot_dimension_numbers<[1], [1], [0], [0], [0, 0, 1, 0], [], []>, transpose_lhs_hint = false} : vector<4096x64xbf16>, vector<512x64xbf16>, vector<4096x512xf32> -> vector<4096x512xf32>
    %add3A_349 = vector.broadcast %get3A_4 : vector<4096x1xf32> to vector<4096x512xf32>
    %add3A_350 = vector.broadcast %get3A_346 : vector<1x512xf32> to vector<4096x512xf32>
    %add3A_351 = arith.addf %add3A_349, %add3A_350 : vector<4096x512xf32>
    %add3A_352 = arith.addf %add3A_351, %dot_general3A_348 : vector<4096x512xf32>
    %slice3A_353 = vector.extract_strided_slice %add3A_352 {offsets = [0, 0], sizes = [4096, 128], strides = [1, 1]} : vector<4096x512xf32> to vector<4096x128xf32>
    %lt3A_354 = arith.cmpf olt, %slice3A_353, %select_n3A_337 : vector<4096x128xf32>
    %select_n3A_355 = arith.select %lt3A_354, %slice3A_353, %select_n3A_337 : vector<4096x128xi1>, vector<4096x128xf32>
    %jit3A_356 = arith.constant 36 : i32
    %broadcast_in_dim3A_357 = vector.broadcast %jit3A_356 : i32 to vector<4096x128xi32>
    %select_n3A_358 = arith.select %lt3A_354, %broadcast_in_dim3A_357, %select_n3A_340 : vector<4096x128xi1>, vector<4096x128xi32>
    %slice3A_359 = vector.extract_strided_slice %add3A_352 {offsets = [0, 128], sizes = [4096, 128], strides = [1, 1]} : vector<4096x512xf32> to vector<4096x128xf32>
    %lt3A_360 = arith.cmpf olt, %slice3A_359, %select_n3A_355 : vector<4096x128xf32>
    %select_n3A_361 = arith.select %lt3A_360, %slice3A_359, %select_n3A_355 : vector<4096x128xi1>, vector<4096x128xf32>
    %jit3A_362 = arith.constant 37 : i32
    %broadcast_in_dim3A_363 = vector.broadcast %jit3A_362 : i32 to vector<4096x128xi32>
    %select_n3A_364 = arith.select %lt3A_360, %broadcast_in_dim3A_363, %select_n3A_358 : vector<4096x128xi1>, vector<4096x128xi32>
    %slice3A_365 = vector.extract_strided_slice %add3A_352 {offsets = [0, 256], sizes = [4096, 128], strides = [1, 1]} : vector<4096x512xf32> to vector<4096x128xf32>
    %lt3A_366 = arith.cmpf olt, %slice3A_365, %select_n3A_361 : vector<4096x128xf32>
    %select_n3A_367 = arith.select %lt3A_366, %slice3A_365, %select_n3A_361 : vector<4096x128xi1>, vector<4096x128xf32>
    %jit3A_368 = arith.constant 38 : i32
    %broadcast_in_dim3A_369 = vector.broadcast %jit3A_368 : i32 to vector<4096x128xi32>
    %select_n3A_370 = arith.select %lt3A_366, %broadcast_in_dim3A_369, %select_n3A_364 : vector<4096x128xi1>, vector<4096x128xi32>
    %slice3A_371 = vector.extract_strided_slice %add3A_352 {offsets = [0, 384], sizes = [4096, 128], strides = [1, 1]} : vector<4096x512xf32> to vector<4096x128xf32>
    %lt3A_372 = arith.cmpf olt, %slice3A_371, %select_n3A_367 : vector<4096x128xf32>
    %select_n3A_373 = arith.select %lt3A_372, %slice3A_371, %select_n3A_367 : vector<4096x128xi1>, vector<4096x128xf32>
    %jit3A_374 = arith.constant 39 : i32
    %broadcast_in_dim3A_375 = vector.broadcast %jit3A_374 : i32 to vector<4096x128xi32>
    %select_n3A_376 = arith.select %lt3A_372, %broadcast_in_dim3A_375, %select_n3A_370 : vector<4096x128xi1>, vector<4096x128xi32>
    %get3A_377 = arith.constant 5120 : index
    %get3A_378 = arith.constant 0 : index
    %get3A_379 = vector.load %arg2[%get3A_377, %get3A_378] : memref<8192x64xbf16, #tpu.memory_space<vmem>>, vector<512x64xbf16>
    %get3A_380 = arith.constant 0 : index
    %get3A_381 = arith.constant 5120 : index
    %get3A_382 = vector.load %arg4[%get3A_380, %get3A_381] : memref<1x8192xf32, #tpu.memory_space<vmem>>, vector<1x512xf32>
    %dot_general3A_383 = arith.constant dense<0.000000e+00> : vector<4096x512xf32>
    %dot_general3A_384 = tpu.matmul %get3A_1, %get3A_379, %dot_general3A_383 {dimension_numbers = #tpu.dot_dimension_numbers<[1], [1], [0], [0], [0, 0, 1, 0], [], []>, transpose_lhs_hint = false} : vector<4096x64xbf16>, vector<512x64xbf16>, vector<4096x512xf32> -> vector<4096x512xf32>
    %add3A_385 = vector.broadcast %get3A_4 : vector<4096x1xf32> to vector<4096x512xf32>
    %add3A_386 = vector.broadcast %get3A_382 : vector<1x512xf32> to vector<4096x512xf32>
    %add3A_387 = arith.addf %add3A_385, %add3A_386 : vector<4096x512xf32>
    %add3A_388 = arith.addf %add3A_387, %dot_general3A_384 : vector<4096x512xf32>
    %slice3A_389 = vector.extract_strided_slice %add3A_388 {offsets = [0, 0], sizes = [4096, 128], strides = [1, 1]} : vector<4096x512xf32> to vector<4096x128xf32>
    %lt3A_390 = arith.cmpf olt, %slice3A_389, %select_n3A_373 : vector<4096x128xf32>
    %select_n3A_391 = arith.select %lt3A_390, %slice3A_389, %select_n3A_373 : vector<4096x128xi1>, vector<4096x128xf32>
    %jit3A_392 = arith.constant 40 : i32
    %broadcast_in_dim3A_393 = vector.broadcast %jit3A_392 : i32 to vector<4096x128xi32>
    %select_n3A_394 = arith.select %lt3A_390, %broadcast_in_dim3A_393, %select_n3A_376 : vector<4096x128xi1>, vector<4096x128xi32>
    %slice3A_395 = vector.extract_strided_slice %add3A_388 {offsets = [0, 128], sizes = [4096, 128], strides = [1, 1]} : vector<4096x512xf32> to vector<4096x128xf32>
    %lt3A_396 = arith.cmpf olt, %slice3A_395, %select_n3A_391 : vector<4096x128xf32>
    %select_n3A_397 = arith.select %lt3A_396, %slice3A_395, %select_n3A_391 : vector<4096x128xi1>, vector<4096x128xf32>
    %jit3A_398 = arith.constant 41 : i32
    %broadcast_in_dim3A_399 = vector.broadcast %jit3A_398 : i32 to vector<4096x128xi32>
    %select_n3A_400 = arith.select %lt3A_396, %broadcast_in_dim3A_399, %select_n3A_394 : vector<4096x128xi1>, vector<4096x128xi32>
    %slice3A_401 = vector.extract_strided_slice %add3A_388 {offsets = [0, 256], sizes = [4096, 128], strides = [1, 1]} : vector<4096x512xf32> to vector<4096x128xf32>
    %lt3A_402 = arith.cmpf olt, %slice3A_401, %select_n3A_397 : vector<4096x128xf32>
    %select_n3A_403 = arith.select %lt3A_402, %slice3A_401, %select_n3A_397 : vector<4096x128xi1>, vector<4096x128xf32>
    %jit3A_404 = arith.constant 42 : i32
    %broadcast_in_dim3A_405 = vector.broadcast %jit3A_404 : i32 to vector<4096x128xi32>
    %select_n3A_406 = arith.select %lt3A_402, %broadcast_in_dim3A_405, %select_n3A_400 : vector<4096x128xi1>, vector<4096x128xi32>
    %slice3A_407 = vector.extract_strided_slice %add3A_388 {offsets = [0, 384], sizes = [4096, 128], strides = [1, 1]} : vector<4096x512xf32> to vector<4096x128xf32>
    %lt3A_408 = arith.cmpf olt, %slice3A_407, %select_n3A_403 : vector<4096x128xf32>
    %select_n3A_409 = arith.select %lt3A_408, %slice3A_407, %select_n3A_403 : vector<4096x128xi1>, vector<4096x128xf32>
    %jit3A_410 = arith.constant 43 : i32
    %broadcast_in_dim3A_411 = vector.broadcast %jit3A_410 : i32 to vector<4096x128xi32>
    %select_n3A_412 = arith.select %lt3A_408, %broadcast_in_dim3A_411, %select_n3A_406 : vector<4096x128xi1>, vector<4096x128xi32>
    %get3A_413 = arith.constant 5632 : index
    %get3A_414 = arith.constant 0 : index
    %get3A_415 = vector.load %arg2[%get3A_413, %get3A_414] : memref<8192x64xbf16, #tpu.memory_space<vmem>>, vector<512x64xbf16>
    %get3A_416 = arith.constant 0 : index
    %get3A_417 = arith.constant 5632 : index
    %get3A_418 = vector.load %arg4[%get3A_416, %get3A_417] : memref<1x8192xf32, #tpu.memory_space<vmem>>, vector<1x512xf32>
    %dot_general3A_419 = arith.constant dense<0.000000e+00> : vector<4096x512xf32>
    %dot_general3A_420 = tpu.matmul %get3A_1, %get3A_415, %dot_general3A_419 {dimension_numbers = #tpu.dot_dimension_numbers<[1], [1], [0], [0], [0, 0, 1, 0], [], []>, transpose_lhs_hint = false} : vector<4096x64xbf16>, vector<512x64xbf16>, vector<4096x512xf32> -> vector<4096x512xf32>
    %add3A_421 = vector.broadcast %get3A_4 : vector<4096x1xf32> to vector<4096x512xf32>
    %add3A_422 = vector.broadcast %get3A_418 : vector<1x512xf32> to vector<4096x512xf32>
    %add3A_423 = arith.addf %add3A_421, %add3A_422 : vector<4096x512xf32>
    %add3A_424 = arith.addf %add3A_423, %dot_general3A_420 : vector<4096x512xf32>
    %slice3A_425 = vector.extract_strided_slice %add3A_424 {offsets = [0, 0], sizes = [4096, 128], strides = [1, 1]} : vector<4096x512xf32> to vector<4096x128xf32>
    %lt3A_426 = arith.cmpf olt, %slice3A_425, %select_n3A_409 : vector<4096x128xf32>
    %select_n3A_427 = arith.select %lt3A_426, %slice3A_425, %select_n3A_409 : vector<4096x128xi1>, vector<4096x128xf32>
    %jit3A_428 = arith.constant 44 : i32
    %broadcast_in_dim3A_429 = vector.broadcast %jit3A_428 : i32 to vector<4096x128xi32>
    %select_n3A_430 = arith.select %lt3A_426, %broadcast_in_dim3A_429, %select_n3A_412 : vector<4096x128xi1>, vector<4096x128xi32>
    %slice3A_431 = vector.extract_strided_slice %add3A_424 {offsets = [0, 128], sizes = [4096, 128], strides = [1, 1]} : vector<4096x512xf32> to vector<4096x128xf32>
    %lt3A_432 = arith.cmpf olt, %slice3A_431, %select_n3A_427 : vector<4096x128xf32>
    %select_n3A_433 = arith.select %lt3A_432, %slice3A_431, %select_n3A_427 : vector<4096x128xi1>, vector<4096x128xf32>
    %jit3A_434 = arith.constant 45 : i32
    %broadcast_in_dim3A_435 = vector.broadcast %jit3A_434 : i32 to vector<4096x128xi32>
    %select_n3A_436 = arith.select %lt3A_432, %broadcast_in_dim3A_435, %select_n3A_430 : vector<4096x128xi1>, vector<4096x128xi32>
    %slice3A_437 = vector.extract_strided_slice %add3A_424 {offsets = [0, 256], sizes = [4096, 128], strides = [1, 1]} : vector<4096x512xf32> to vector<4096x128xf32>
    %lt3A_438 = arith.cmpf olt, %slice3A_437, %select_n3A_433 : vector<4096x128xf32>
    %select_n3A_439 = arith.select %lt3A_438, %slice3A_437, %select_n3A_433 : vector<4096x128xi1>, vector<4096x128xf32>
    %jit3A_440 = arith.constant 46 : i32
    %broadcast_in_dim3A_441 = vector.broadcast %jit3A_440 : i32 to vector<4096x128xi32>
    %select_n3A_442 = arith.select %lt3A_438, %broadcast_in_dim3A_441, %select_n3A_436 : vector<4096x128xi1>, vector<4096x128xi32>
    %slice3A_443 = vector.extract_strided_slice %add3A_424 {offsets = [0, 384], sizes = [4096, 128], strides = [1, 1]} : vector<4096x512xf32> to vector<4096x128xf32>
    %lt3A_444 = arith.cmpf olt, %slice3A_443, %select_n3A_439 : vector<4096x128xf32>
    %select_n3A_445 = arith.select %lt3A_444, %slice3A_443, %select_n3A_439 : vector<4096x128xi1>, vector<4096x128xf32>
    %jit3A_446 = arith.constant 47 : i32
    %broadcast_in_dim3A_447 = vector.broadcast %jit3A_446 : i32 to vector<4096x128xi32>
    %select_n3A_448 = arith.select %lt3A_444, %broadcast_in_dim3A_447, %select_n3A_442 : vector<4096x128xi1>, vector<4096x128xi32>
    %get3A_449 = arith.constant 6144 : index
    %get3A_450 = arith.constant 0 : index
    %get3A_451 = vector.load %arg2[%get3A_449, %get3A_450] : memref<8192x64xbf16, #tpu.memory_space<vmem>>, vector<512x64xbf16>
    %get3A_452 = arith.constant 0 : index
    %get3A_453 = arith.constant 6144 : index
    %get3A_454 = vector.load %arg4[%get3A_452, %get3A_453] : memref<1x8192xf32, #tpu.memory_space<vmem>>, vector<1x512xf32>
    %dot_general3A_455 = arith.constant dense<0.000000e+00> : vector<4096x512xf32>
    %dot_general3A_456 = tpu.matmul %get3A_1, %get3A_451, %dot_general3A_455 {dimension_numbers = #tpu.dot_dimension_numbers<[1], [1], [0], [0], [0, 0, 1, 0], [], []>, transpose_lhs_hint = false} : vector<4096x64xbf16>, vector<512x64xbf16>, vector<4096x512xf32> -> vector<4096x512xf32>
    %add3A_457 = vector.broadcast %get3A_4 : vector<4096x1xf32> to vector<4096x512xf32>
    %add3A_458 = vector.broadcast %get3A_454 : vector<1x512xf32> to vector<4096x512xf32>
    %add3A_459 = arith.addf %add3A_457, %add3A_458 : vector<4096x512xf32>
    %add3A_460 = arith.addf %add3A_459, %dot_general3A_456 : vector<4096x512xf32>
    %slice3A_461 = vector.extract_strided_slice %add3A_460 {offsets = [0, 0], sizes = [4096, 128], strides = [1, 1]} : vector<4096x512xf32> to vector<4096x128xf32>
    %lt3A_462 = arith.cmpf olt, %slice3A_461, %select_n3A_445 : vector<4096x128xf32>
    %select_n3A_463 = arith.select %lt3A_462, %slice3A_461, %select_n3A_445 : vector<4096x128xi1>, vector<4096x128xf32>
    %jit3A_464 = arith.constant 48 : i32
    %broadcast_in_dim3A_465 = vector.broadcast %jit3A_464 : i32 to vector<4096x128xi32>
    %select_n3A_466 = arith.select %lt3A_462, %broadcast_in_dim3A_465, %select_n3A_448 : vector<4096x128xi1>, vector<4096x128xi32>
    %slice3A_467 = vector.extract_strided_slice %add3A_460 {offsets = [0, 128], sizes = [4096, 128], strides = [1, 1]} : vector<4096x512xf32> to vector<4096x128xf32>
    %lt3A_468 = arith.cmpf olt, %slice3A_467, %select_n3A_463 : vector<4096x128xf32>
    %select_n3A_469 = arith.select %lt3A_468, %slice3A_467, %select_n3A_463 : vector<4096x128xi1>, vector<4096x128xf32>
    %jit3A_470 = arith.constant 49 : i32
    %broadcast_in_dim3A_471 = vector.broadcast %jit3A_470 : i32 to vector<4096x128xi32>
    %select_n3A_472 = arith.select %lt3A_468, %broadcast_in_dim3A_471, %select_n3A_466 : vector<4096x128xi1>, vector<4096x128xi32>
    %slice3A_473 = vector.extract_strided_slice %add3A_460 {offsets = [0, 256], sizes = [4096, 128], strides = [1, 1]} : vector<4096x512xf32> to vector<4096x128xf32>
    %lt3A_474 = arith.cmpf olt, %slice3A_473, %select_n3A_469 : vector<4096x128xf32>
    %select_n3A_475 = arith.select %lt3A_474, %slice3A_473, %select_n3A_469 : vector<4096x128xi1>, vector<4096x128xf32>
    %jit3A_476 = arith.constant 50 : i32
    %broadcast_in_dim3A_477 = vector.broadcast %jit3A_476 : i32 to vector<4096x128xi32>
    %select_n3A_478 = arith.select %lt3A_474, %broadcast_in_dim3A_477, %select_n3A_472 : vector<4096x128xi1>, vector<4096x128xi32>
    %slice3A_479 = vector.extract_strided_slice %add3A_460 {offsets = [0, 384], sizes = [4096, 128], strides = [1, 1]} : vector<4096x512xf32> to vector<4096x128xf32>
    %lt3A_480 = arith.cmpf olt, %slice3A_479, %select_n3A_475 : vector<4096x128xf32>
    %select_n3A_481 = arith.select %lt3A_480, %slice3A_479, %select_n3A_475 : vector<4096x128xi1>, vector<4096x128xf32>
    %jit3A_482 = arith.constant 51 : i32
    %broadcast_in_dim3A_483 = vector.broadcast %jit3A_482 : i32 to vector<4096x128xi32>
    %select_n3A_484 = arith.select %lt3A_480, %broadcast_in_dim3A_483, %select_n3A_478 : vector<4096x128xi1>, vector<4096x128xi32>
    %get3A_485 = arith.constant 6656 : index
    %get3A_486 = arith.constant 0 : index
    %get3A_487 = vector.load %arg2[%get3A_485, %get3A_486] : memref<8192x64xbf16, #tpu.memory_space<vmem>>, vector<512x64xbf16>
    %get3A_488 = arith.constant 0 : index
    %get3A_489 = arith.constant 6656 : index
    %get3A_490 = vector.load %arg4[%get3A_488, %get3A_489] : memref<1x8192xf32, #tpu.memory_space<vmem>>, vector<1x512xf32>
    %dot_general3A_491 = arith.constant dense<0.000000e+00> : vector<4096x512xf32>
    %dot_general3A_492 = tpu.matmul %get3A_1, %get3A_487, %dot_general3A_491 {dimension_numbers = #tpu.dot_dimension_numbers<[1], [1], [0], [0], [0, 0, 1, 0], [], []>, transpose_lhs_hint = false} : vector<4096x64xbf16>, vector<512x64xbf16>, vector<4096x512xf32> -> vector<4096x512xf32>
    %add3A_493 = vector.broadcast %get3A_4 : vector<4096x1xf32> to vector<4096x512xf32>
    %add3A_494 = vector.broadcast %get3A_490 : vector<1x512xf32> to vector<4096x512xf32>
    %add3A_495 = arith.addf %add3A_493, %add3A_494 : vector<4096x512xf32>
    %add3A_496 = arith.addf %add3A_495, %dot_general3A_492 : vector<4096x512xf32>
    %slice3A_497 = vector.extract_strided_slice %add3A_496 {offsets = [0, 0], sizes = [4096, 128], strides = [1, 1]} : vector<4096x512xf32> to vector<4096x128xf32>
    %lt3A_498 = arith.cmpf olt, %slice3A_497, %select_n3A_481 : vector<4096x128xf32>
    %select_n3A_499 = arith.select %lt3A_498, %slice3A_497, %select_n3A_481 : vector<4096x128xi1>, vector<4096x128xf32>
    %jit3A_500 = arith.constant 52 : i32
    %broadcast_in_dim3A_501 = vector.broadcast %jit3A_500 : i32 to vector<4096x128xi32>
    %select_n3A_502 = arith.select %lt3A_498, %broadcast_in_dim3A_501, %select_n3A_484 : vector<4096x128xi1>, vector<4096x128xi32>
    %slice3A_503 = vector.extract_strided_slice %add3A_496 {offsets = [0, 128], sizes = [4096, 128], strides = [1, 1]} : vector<4096x512xf32> to vector<4096x128xf32>
    %lt3A_504 = arith.cmpf olt, %slice3A_503, %select_n3A_499 : vector<4096x128xf32>
    %select_n3A_505 = arith.select %lt3A_504, %slice3A_503, %select_n3A_499 : vector<4096x128xi1>, vector<4096x128xf32>
    %jit3A_506 = arith.constant 53 : i32
    %broadcast_in_dim3A_507 = vector.broadcast %jit3A_506 : i32 to vector<4096x128xi32>
    %select_n3A_508 = arith.select %lt3A_504, %broadcast_in_dim3A_507, %select_n3A_502 : vector<4096x128xi1>, vector<4096x128xi32>
    %slice3A_509 = vector.extract_strided_slice %add3A_496 {offsets = [0, 256], sizes = [4096, 128], strides = [1, 1]} : vector<4096x512xf32> to vector<4096x128xf32>
    %lt3A_510 = arith.cmpf olt, %slice3A_509, %select_n3A_505 : vector<4096x128xf32>
    %select_n3A_511 = arith.select %lt3A_510, %slice3A_509, %select_n3A_505 : vector<4096x128xi1>, vector<4096x128xf32>
    %jit3A_512 = arith.constant 54 : i32
    %broadcast_in_dim3A_513 = vector.broadcast %jit3A_512 : i32 to vector<4096x128xi32>
    %select_n3A_514 = arith.select %lt3A_510, %broadcast_in_dim3A_513, %select_n3A_508 : vector<4096x128xi1>, vector<4096x128xi32>
    %slice3A_515 = vector.extract_strided_slice %add3A_496 {offsets = [0, 384], sizes = [4096, 128], strides = [1, 1]} : vector<4096x512xf32> to vector<4096x128xf32>
    %lt3A_516 = arith.cmpf olt, %slice3A_515, %select_n3A_511 : vector<4096x128xf32>
    %select_n3A_517 = arith.select %lt3A_516, %slice3A_515, %select_n3A_511 : vector<4096x128xi1>, vector<4096x128xf32>
    %jit3A_518 = arith.constant 55 : i32
    %broadcast_in_dim3A_519 = vector.broadcast %jit3A_518 : i32 to vector<4096x128xi32>
    %select_n3A_520 = arith.select %lt3A_516, %broadcast_in_dim3A_519, %select_n3A_514 : vector<4096x128xi1>, vector<4096x128xi32>
    %get3A_521 = arith.constant 7168 : index
    %get3A_522 = arith.constant 0 : index
    %get3A_523 = vector.load %arg2[%get3A_521, %get3A_522] : memref<8192x64xbf16, #tpu.memory_space<vmem>>, vector<512x64xbf16>
    %get3A_524 = arith.constant 0 : index
    %get3A_525 = arith.constant 7168 : index
    %get3A_526 = vector.load %arg4[%get3A_524, %get3A_525] : memref<1x8192xf32, #tpu.memory_space<vmem>>, vector<1x512xf32>
    %dot_general3A_527 = arith.constant dense<0.000000e+00> : vector<4096x512xf32>
    %dot_general3A_528 = tpu.matmul %get3A_1, %get3A_523, %dot_general3A_527 {dimension_numbers = #tpu.dot_dimension_numbers<[1], [1], [0], [0], [0, 0, 1, 0], [], []>, transpose_lhs_hint = false} : vector<4096x64xbf16>, vector<512x64xbf16>, vector<4096x512xf32> -> vector<4096x512xf32>
    %add3A_529 = vector.broadcast %get3A_4 : vector<4096x1xf32> to vector<4096x512xf32>
    %add3A_530 = vector.broadcast %get3A_526 : vector<1x512xf32> to vector<4096x512xf32>
    %add3A_531 = arith.addf %add3A_529, %add3A_530 : vector<4096x512xf32>
    %add3A_532 = arith.addf %add3A_531, %dot_general3A_528 : vector<4096x512xf32>
    %slice3A_533 = vector.extract_strided_slice %add3A_532 {offsets = [0, 0], sizes = [4096, 128], strides = [1, 1]} : vector<4096x512xf32> to vector<4096x128xf32>
    %lt3A_534 = arith.cmpf olt, %slice3A_533, %select_n3A_517 : vector<4096x128xf32>
    %select_n3A_535 = arith.select %lt3A_534, %slice3A_533, %select_n3A_517 : vector<4096x128xi1>, vector<4096x128xf32>
    %jit3A_536 = arith.constant 56 : i32
    %broadcast_in_dim3A_537 = vector.broadcast %jit3A_536 : i32 to vector<4096x128xi32>
    %select_n3A_538 = arith.select %lt3A_534, %broadcast_in_dim3A_537, %select_n3A_520 : vector<4096x128xi1>, vector<4096x128xi32>
    %slice3A_539 = vector.extract_strided_slice %add3A_532 {offsets = [0, 128], sizes = [4096, 128], strides = [1, 1]} : vector<4096x512xf32> to vector<4096x128xf32>
    %lt3A_540 = arith.cmpf olt, %slice3A_539, %select_n3A_535 : vector<4096x128xf32>
    %select_n3A_541 = arith.select %lt3A_540, %slice3A_539, %select_n3A_535 : vector<4096x128xi1>, vector<4096x128xf32>
    %jit3A_542 = arith.constant 57 : i32
    %broadcast_in_dim3A_543 = vector.broadcast %jit3A_542 : i32 to vector<4096x128xi32>
    %select_n3A_544 = arith.select %lt3A_540, %broadcast_in_dim3A_543, %select_n3A_538 : vector<4096x128xi1>, vector<4096x128xi32>
    %slice3A_545 = vector.extract_strided_slice %add3A_532 {offsets = [0, 256], sizes = [4096, 128], strides = [1, 1]} : vector<4096x512xf32> to vector<4096x128xf32>
    %lt3A_546 = arith.cmpf olt, %slice3A_545, %select_n3A_541 : vector<4096x128xf32>
    %select_n3A_547 = arith.select %lt3A_546, %slice3A_545, %select_n3A_541 : vector<4096x128xi1>, vector<4096x128xf32>
    %jit3A_548 = arith.constant 58 : i32
    %broadcast_in_dim3A_549 = vector.broadcast %jit3A_548 : i32 to vector<4096x128xi32>
    %select_n3A_550 = arith.select %lt3A_546, %broadcast_in_dim3A_549, %select_n3A_544 : vector<4096x128xi1>, vector<4096x128xi32>
    %slice3A_551 = vector.extract_strided_slice %add3A_532 {offsets = [0, 384], sizes = [4096, 128], strides = [1, 1]} : vector<4096x512xf32> to vector<4096x128xf32>
    %lt3A_552 = arith.cmpf olt, %slice3A_551, %select_n3A_547 : vector<4096x128xf32>
    %select_n3A_553 = arith.select %lt3A_552, %slice3A_551, %select_n3A_547 : vector<4096x128xi1>, vector<4096x128xf32>
    %jit3A_554 = arith.constant 59 : i32
    %broadcast_in_dim3A_555 = vector.broadcast %jit3A_554 : i32 to vector<4096x128xi32>
    %select_n3A_556 = arith.select %lt3A_552, %broadcast_in_dim3A_555, %select_n3A_550 : vector<4096x128xi1>, vector<4096x128xi32>
    %get3A_557 = arith.constant 7680 : index
    %get3A_558 = arith.constant 0 : index
    %get3A_559 = vector.load %arg2[%get3A_557, %get3A_558] : memref<8192x64xbf16, #tpu.memory_space<vmem>>, vector<512x64xbf16>
    %get3A_560 = arith.constant 0 : index
    %get3A_561 = arith.constant 7680 : index
    %get3A_562 = vector.load %arg4[%get3A_560, %get3A_561] : memref<1x8192xf32, #tpu.memory_space<vmem>>, vector<1x512xf32>
    %dot_general3A_563 = arith.constant dense<0.000000e+00> : vector<4096x512xf32>
    %dot_general3A_564 = tpu.matmul %get3A_1, %get3A_559, %dot_general3A_563 {dimension_numbers = #tpu.dot_dimension_numbers<[1], [1], [0], [0], [0, 0, 1, 0], [], []>, transpose_lhs_hint = false} : vector<4096x64xbf16>, vector<512x64xbf16>, vector<4096x512xf32> -> vector<4096x512xf32>
    %add3A_565 = vector.broadcast %get3A_4 : vector<4096x1xf32> to vector<4096x512xf32>
    %add3A_566 = vector.broadcast %get3A_562 : vector<1x512xf32> to vector<4096x512xf32>
    %add3A_567 = arith.addf %add3A_565, %add3A_566 : vector<4096x512xf32>
    %add3A_568 = arith.addf %add3A_567, %dot_general3A_564 : vector<4096x512xf32>
    %slice3A_569 = vector.extract_strided_slice %add3A_568 {offsets = [0, 0], sizes = [4096, 128], strides = [1, 1]} : vector<4096x512xf32> to vector<4096x128xf32>
    %lt3A_570 = arith.cmpf olt, %slice3A_569, %select_n3A_553 : vector<4096x128xf32>
    %select_n3A_571 = arith.select %lt3A_570, %slice3A_569, %select_n3A_553 : vector<4096x128xi1>, vector<4096x128xf32>
    %jit3A_572 = arith.constant 60 : i32
    %broadcast_in_dim3A_573 = vector.broadcast %jit3A_572 : i32 to vector<4096x128xi32>
    %select_n3A_574 = arith.select %lt3A_570, %broadcast_in_dim3A_573, %select_n3A_556 : vector<4096x128xi1>, vector<4096x128xi32>
    %slice3A_575 = vector.extract_strided_slice %add3A_568 {offsets = [0, 128], sizes = [4096, 128], strides = [1, 1]} : vector<4096x512xf32> to vector<4096x128xf32>
    %lt3A_576 = arith.cmpf olt, %slice3A_575, %select_n3A_571 : vector<4096x128xf32>
    %select_n3A_577 = arith.select %lt3A_576, %slice3A_575, %select_n3A_571 : vector<4096x128xi1>, vector<4096x128xf32>
    %jit3A_578 = arith.constant 61 : i32
    %broadcast_in_dim3A_579 = vector.broadcast %jit3A_578 : i32 to vector<4096x128xi32>
    %select_n3A_580 = arith.select %lt3A_576, %broadcast_in_dim3A_579, %select_n3A_574 : vector<4096x128xi1>, vector<4096x128xi32>
    %slice3A_581 = vector.extract_strided_slice %add3A_568 {offsets = [0, 256], sizes = [4096, 128], strides = [1, 1]} : vector<4096x512xf32> to vector<4096x128xf32>
    %lt3A_582 = arith.cmpf olt, %slice3A_581, %select_n3A_577 : vector<4096x128xf32>
    %select_n3A_583 = arith.select %lt3A_582, %slice3A_581, %select_n3A_577 : vector<4096x128xi1>, vector<4096x128xf32>
    %jit3A_584 = arith.constant 62 : i32
    %broadcast_in_dim3A_585 = vector.broadcast %jit3A_584 : i32 to vector<4096x128xi32>
    %select_n3A_586 = arith.select %lt3A_582, %broadcast_in_dim3A_585, %select_n3A_580 : vector<4096x128xi1>, vector<4096x128xi32>
    %slice3A_587 = vector.extract_strided_slice %add3A_568 {offsets = [0, 384], sizes = [4096, 128], strides = [1, 1]} : vector<4096x512xf32> to vector<4096x128xf32>
    %lt3A_588 = arith.cmpf olt, %slice3A_587, %select_n3A_583 : vector<4096x128xf32>
    %select_n3A_589 = arith.select %lt3A_588, %slice3A_587, %select_n3A_583 : vector<4096x128xi1>, vector<4096x128xf32>
    %jit3A_590 = arith.constant 63 : i32
    %broadcast_in_dim3A_591 = vector.broadcast %jit3A_590 : i32 to vector<4096x128xi32>
    %select_n3A_592 = arith.select %lt3A_588, %broadcast_in_dim3A_591, %select_n3A_586 : vector<4096x128xi1>, vector<4096x128xi32>
    %reduce_min3A_593 = arith.constant dense<0x7F800000> : vector<4096xf32>
    %reduce_min3A_594 = vector.multi_reduction <minimumf>, %select_n3A_589, %reduce_min3A_593 [1] : vector<4096x128xf32> to vector<4096xf32>
    %mul3A_595 = arith.constant 128 : i32
    %mul3A_596 = vector.broadcast %mul3A_595 : i32 to vector<4096x128xi32>
    %mul3A_597 = arith.muli %select_n3A_592, %mul3A_596 : vector<4096x128xi32>
    %add3A_598 = arith.addi %mul3A_597, %iota3A : vector<4096x128xi32>
    %broadcast_in_dim3A_599 = vector.shape_cast %reduce_min3A_594 : vector<4096xf32> to vector<4096x1xf32>
    %eq3A_600 = vector.broadcast %broadcast_in_dim3A_599 : vector<4096x1xf32> to vector<4096x128xf32>
    %eq3A_601 = arith.cmpf oeq, %select_n3A_589, %eq3A_600 : vector<4096x128xf32>
    %jit3A_602 = arith.constant 8192 : i32
    %broadcast_in_dim3A_603 = vector.broadcast %jit3A_602 : i32 to vector<4096x128xi32>
    %select_n3A_604 = arith.select %eq3A_601, %add3A_598, %broadcast_in_dim3A_603 : vector<4096x128xi1>, vector<4096x128xi32>
    %reduce_min3A_605 = arith.constant dense<2147483647> : vector<4096xi32>
    %reduce_min3A_606 = vector.multi_reduction <minsi>, %select_n3A_604, %reduce_min3A_605 [1] : vector<4096x128xi32> to vector<4096xi32>
    %convert_element_type3A = arith.truncf %reduce_min3A_290 : vector<4096xf32> to vector<4096xbf16>
    %convert_element_type3A_607 = arith.extf %convert_element_type3A : vector<4096xbf16> to vector<4096xf32>
    %lt3A_608 = arith.cmpf olt, %reduce_min3A_594, %convert_element_type3A_607 : vector<4096xf32>
    %select_n3A_609 = arith.select %lt3A_608, %reduce_min3A_606, %reduce_min3A_300 : vector<4096xi1>, vector<4096xi32>
    %select_n3A_610 = arith.select %lt3A_608, %reduce_min3A_594, %reduce_min3A_290 : vector<4096xi1>, vector<4096xf32>
    %swap3A = arith.constant 0 : index
    %swap3A_611 = arith.constant 0 : index
    %swap3A_612 = arith.constant 0 : index
    %swap3A_613 = vector.load %arg5[%swap3A, %swap3A_611, %swap3A_612] : memref<1x1x4096xi32, #tpu.memory_space<vmem>>, vector<1x1x4096xi32>
    %swap3A_614 = vector.shape_cast %swap3A_613 : vector<1x1x4096xi32> to vector<4096xi32>
    %swap3A_615 = vector.shape_cast %select_n3A_609 : vector<4096xi32> to vector<1x1x4096xi32>
    tpu.vector_store %arg5[%swap3A, %swap3A_611, %swap3A_612], %swap3A_615 {strides = array<i32>} : memref<1x1x4096xi32, #tpu.memory_space<vmem>>, vector<1x1x4096xi32>,
    %eq3A_616 = arith.constant 0 : i32
    %eq3A_617 = arith.cmpi eq, %arg0, %eq3A_616 : i32
    %convert_element_type3A_618 = arith.extui %eq3A_617 : i1 to i32
    %cond3A = arith.constant 0 : i32
    %cond3A_619 = arith.cmpi ne, %convert_element_type3A_618, %cond3A : i32
    scf.if %cond3A_619 {
      %broadcast_in_dim3A_632 = arith.constant 0.000000e+00 : f32
      %broadcast_in_dim3A_633 = vector.broadcast %broadcast_in_dim3A_632 : f32 to vector<1x1xf32>
      %swap3A_634 = arith.constant 0 : index
      %swap3A_635 = arith.constant 0 : index
      %swap3A_636 = vector.load %arg6[%swap3A_634, %swap3A_635] : memref<1x1xf32, #tpu.memory_space<vmem>>, vector<1x1xf32>
      tpu.vector_store %arg6[%swap3A_634, %swap3A_635], %broadcast_in_dim3A_633 {strides = array<i32>} : memref<1x1xf32, #tpu.memory_space<vmem>>, vector<1x1xf32>,
    } else {
    }
    %get3A_620 = arith.constant 0 : index
    %get3A_621 = arith.constant 0 : index
    %get3A_622 = vector.load %arg6[%get3A_620, %get3A_621] : memref<1x1xf32, #tpu.memory_space<vmem>>, vector<1x1xf32>
    %reduce_sum3A = vector.shape_cast %select_n3A_610 : vector<4096xf32> to vector<1x4096xf32>
    %reduce_sum3A_623 = arith.constant dense<0.000000e+00> : vector<1xf32>
    %reduce_sum3A_624 = vector.multi_reduction <add>, %reduce_sum3A, %reduce_sum3A_623 [1] : vector<1x4096xf32> to vector<1xf32>
    %reduce_sum3A_625 = vector.shape_cast %reduce_sum3A_624 : vector<1xf32> to vector<1x1xf32>
    %reduce_sum3A_626 = vector.extract %reduce_sum3A_625[0, 0] : f32 from vector<1x1xf32>
    %broadcast_in_dim3A_627 = vector.broadcast %reduce_sum3A_626 : f32 to vector<1x1xf32>
    %add3A_628 = arith.addf %get3A_622, %broadcast_in_dim3A_627 : vector<1x1xf32>
    %swap3A_629 = arith.constant 0 : index
    %swap3A_630 = arith.constant 0 : index
    %swap3A_631 = vector.load %arg6[%swap3A_629, %swap3A_630] : memref<1x1xf32, #tpu.memory_space<vmem>>, vector<1x1xf32>
    tpu.vector_store %arg6[%swap3A_629, %swap3A_630], %add3A_628 {strides = array<i32>} : memref<1x1xf32, #tpu.memory_space<vmem>>, vector<1x1xf32>,
    return
  }
  func.func @transform_0(%arg0: i32) -> (i32, i32) {
    %c0_i32 = arith.constant 0 : i32
    %c0_i32_0 = arith.constant 0 : i32
    return %arg0, %c0_i32 : i32, i32
  }
  func.func @transform_1(%arg0: i32) -> (i32, i32) {
    %c0_i32 = arith.constant 0 : i32
    %c0_i32_0 = arith.constant 0 : i32
    %c0_i32_1 = arith.constant 0 : i32
    return %c0_i32, %c0_i32_0 : i32, i32
  }
  func.func @transform_2(%arg0: i32) -> (i32, i32) {
    %c0_i32 = arith.constant 0 : i32
    %c0_i32_0 = arith.constant 0 : i32
    return %arg0, %c0_i32 : i32, i32
  }
  func.func @transform_3(%arg0: i32) -> (i32, i32) {
    %c0_i32 = arith.constant 0 : i32
    %c0_i32_0 = arith.constant 0 : i32
    %c0_i32_1 = arith.constant 0 : i32
    return %c0_i32, %c0_i32_0 : i32, i32
  }
  func.func @transform_4(%arg0: i32) -> (i32, i32, i32) {
    %c0_i32 = arith.constant 0 : i32
    %c0_i32_0 = arith.constant 0 : i32
    %c0_i32_1 = arith.constant 0 : i32
    return %arg0, %c0_i32, %c0_i32_0 : i32, i32, i32
  }
  func.func @transform_5(%arg0: i32) -> (i32, i32) {
    %c0_i32 = arith.constant 0 : i32
    %c0_i32_0 = arith.constant 0 : i32
    %c0_i32_1 = arith.constant 0 : i32
    return %c0_i32, %c0_i32_0 : i32, i32
  }
}

</mosaic_0001>

<sc_bundles>
// kernel: kernel.4.cloned.1.call-start
scs
__scs_entry_jumppad:
0x0: {  	(pc) =	sbr.rel $0x88, $3  }
0x1: {  	(tag) =	ssettag $0x0;
	lr =	simm.s32 $0x1  }
0x2: {  	[smem:$0x3F9F] =	sst lr;
	_ =	strace $0xD0000000  }
0x3: {  	_ = 	snop  }
0x4: {  	_ = 	snop  }
0x5: {  	_ = 	snop  }
0x6: {  	_ = 	snop  }
0x7: {  	_ = 	snop  }
__scs_overlays_trampoline_lowered:
0x8: {  	[smem:$0x3FAE] =	sst s0  }
0x9: {  	[smem:$0x3FAF] =	sst s1  }
0xa: {  	[smem:$0x3FB0] =	sst s2  }
0xb: {  	[smem:$0x3FB1] =	sst s3  }
0xc: {  	[smem:$0x3FB2] =	sst s4  }
0xd: {  	[smem:$0x3FB3] =	sst s5  }
0xe: {  	[smem:$0x3FB4] =	sst s6  }
0xf: {  	[smem:$0x3FB5] =	sst s7  }
0x10: {  	[smem:$0x3FB6] =	sst s8  }
0x11: {  	[smem:$0x3FB7] =	sst s9;
	s0 =	simm.s32 @!p0 $0x0  }
0x12: {  	s1 =	sld [smem:$0x3F9D];
	s0 =	simm.s32 @p0 $0x1  }
0x13: {  	[smem:$0x3FB8] =	sst s0;
	s0 =	simm.s32 @!p1 $0x0  }
0x14: {  	s2 =	sld [smem:$0x3F9C];
	s0 =	simm.s32 @p1 $0x1  }
0x15: {  	[smem:$0x3FB9] =	sst s0;
	s0 =	simm.s32 @!p2 $0x0  }
0x16: {  	s3 =	sld [smem:$0x3FDB];
	s0 =	simm.s32 @p2 $0x1  }
0x17: {  	s4 =	simm.s32 $0x1BF5;
	[smem:$0x3FBB] =	sst s0  }
0x18: {  	s0 =	sld [smem:$0x3F9E];
	_ =	swait.ge [sflag:s4], $0x0  }
0x19: {  	s7 =	sld [smem:$0x3F9F]  }
0x1a: {  	s8 =	sadd.s32 $0xFFFFE003, lr  }
0x1b: {  	s9 =	sadd.s32 $0xFFFFFEF7, lr;
	s5 =	simm.s32 $0xFFFFFFFF;
	p2 =	slt.u32 s8, $0xFFFFF086  }
0x1c: {  	p1 =	slt.u32 s9, $0xF7A;
	s5 =	simm.s32 @!p2 $0x0  }
0x1d: {  	s5 =	simm.s32 @p1 $0x1;
	p0 =	seq.s32 s7, s2  }
0x1e: {  	s7 =	smul.u32 @!p0 $0xF7A, s2;
	p2 =	seq.s32 @!p0 s5, $0x0  }
0x1f: {  	s9 =	smul.u32 $0xF7A, s1;
	s8 =	simm.s32 @!p0 $0x1BF5;
	p2 =	por !p2, p0  }
0x20: {  	[sflag:s8] =	ssyncset.s32 @!p0 $0xFFFFF086;
	s6 =	sadd.s32 @!p0 s3, s7;
	s7 =	simm.s32 @!p0 $0x108  }
0x21: {  	s3 =	sadd.s32 s3, s9;
	s6 =	sadd.s32 @!p0 $0x88, s6;
	s7 =	simm.s32 @p2 $0x1082  }
0x22: {  	[simem:s7], [sflag:s8] =	dma.local @!p0 [hbm:s6], $0xF7A  }
0x23: {  	s9 =	sor.u32 $0xD0000000, s2;
	s6 =	simm.s32 $0x108;
	_ =	swait.ge @!p0 [sflag:s8], $0x0  }
0x24: {  	s3 =	sadd.s32 $0x88, s3;
	s6 =	simm.s32 @!p1 $0x1082;
	[sflag:s4] =	ssyncset.s32 $0xFFFFF086  }
0x25: {  	[simem:s6], [sflag:s4] =	dma.local [hbm:s3], $0xF7A  }
0x26: {  	[smem:$0x3F9F] =	sst s1;
	(tag) =	ssettag s2;
	_ =	strace s9  }
0x27: {  	s1 =	sld [smem:$0x3FAF]  }
0x28: {  	s2 =	sld [smem:$0x3FB0]  }
0x29: {  	s4 =	sld [smem:$0x3FB2]  }
0x2a: {  	p0 =	seq.s32 s5, $0x0;
	s5 =	sld [smem:$0x3FB3]  }
0x2b: {  	s6 =	sld [smem:$0x3FB4]  }
0x2c: {  	s7 =	sld [smem:$0x3FB5]  }
0x2d: {  	s3 =	simm.s32 $0x108;
	s8 =	sld [smem:$0x3FB6]  }
0x2e: {  	s3 =	simm.s32 @!p0 $0x1082;
	s9 =	sld [smem:$0x3FB7]  }
0x2f: {  	lr =	sadd.s32 s0, s3;
	s0 =	sld [smem:$0x3FAE]  }
0x30: {  	s3 =	sld [smem:$0x3FB1]  }
0x31: {  	[smem:$0x3FBA] =	sst s10  }
0x32: {  	s10 =	sld [smem:$0x3FB8];
	_ =	sdelay $0x3  }
0x33: {  	p0 =	seq.s32 s10, $0x1;
	s10 =	sld [smem:$0x3FBA];
	_ =	sdelay $0x3  }
0x34: {  	[smem:$0x3FBA] =	sst s10  }
0x35: {  	s10 =	sld [smem:$0x3FB9];
	_ =	sdelay $0x3  }
0x36: {  	p1 =	seq.s32 s10, $0x1;
	s10 =	sld [smem:$0x3FBA];
	_ =	sdelay $0x3  }
0x37: {  	[smem:$0x3FBA] =	sst s10  }
0x38: {  	s10 =	sld [smem:$0x3FBB]  }
0x39: {  	_ = 	snop;
	(pc) =	sbr.ind lr, $3  }
0x3a: {  	_ = 	snop  }
0x3b: {  	_ = 	snop  }
0x3c: {  	p2 =	seq.s32 s10, $0x1;
	s10 =	sld [smem:$0x3FBA]  }
0x3d: {  	_ =	shalt  }
0x3e: {  	_ =	shalt  }
0x3f: {  	_ =	shalt  }
0x40: {  	_ =	shalt  }
0x41: {  	_ =	shalt  }
0x42: {  	_ =	shalt  }
0x43: {  	_ =	shalt  }
0x44: {  	_ =	shalt  }
0x45: {  	_ =	shalt  }
0x46: {  	_ =	shalt  }
0x47: {  	_ =	shalt  }
0x48: {  	_ =	shalt  }
0x49: {  	_ =	shalt  }
0x4a: {  	_ =	shalt  }
0x4b: {  	_ =	shalt  }
0x4c: {  	_ =	shalt  }
0x4d: {  	_ =	shalt  }
0x4e: {  	_ =	shalt  }
0x4f: {  	_ =	shalt  }
0x50: {  	_ =	shalt  }
0x51: {  	_ =	shalt  }
0x52: {  	_ =	shalt  }
0x53: {  	_ =	shalt  }
0x54: {  	_ =	shalt  }
0x55: {  	_ =	shalt  }
0x56: {  	_ =	shalt  }
0x57: {  	_ =	shalt  }
0x58: {  	_ =	shalt  }
0x59: {  	_ =	shalt  }
0x5a: {  	_ =	shalt  }
0x5b: {  	_ =	shalt  }
0x5c: {  	_ =	shalt  }
0x5d: {  	_ =	shalt  }
0x5e: {  	_ =	shalt  }
0x5f: {  	_ =	shalt  }
0x60: {  	_ =	shalt  }
0x61: {  	_ =	shalt  }
0x62: {  	_ =	shalt  }
0x63: {  	_ =	shalt  }
0x64: {  	_ =	shalt  }
0x65: {  	_ =	shalt  }
0x66: {  	_ =	shalt  }
0x67: {  	_ =	shalt  }
0x68: {  	_ =	shalt  }
0x69: {  	_ =	shalt  }
0x6a: {  	_ =	shalt  }
0x6b: {  	_ =	shalt  }
0x6c: {  	_ =	shalt  }
0x6d: {  	_ =	shalt  }
0x6e: {  	_ =	shalt  }
0x6f: {  	_ =	shalt  }
0x70: {  	_ =	shalt  }
0x71: {  	_ =	shalt  }
0x72: {  	_ =	shalt  }
0x73: {  	_ =	shalt  }
0x74: {  	_ =	shalt  }
0x75: {  	_ =	shalt  }
0x76: {  	_ =	shalt  }
0x77: {  	_ =	shalt  }
0x78: {  	_ =	shalt  }
0x79: {  	_ =	shalt  }
0x7a: {  	_ =	shalt  }
0x7b: {  	_ =	shalt  }
0x7c: {  	_ =	shalt  }
0x7d: {  	_ =	shalt  }
0x7e: {  	_ =	shalt  }
0x7f: {  	_ =	shalt  }
0x80: {  	_ =	shalt  }
0x81: {  	_ =	shalt  }
0x82: {  	_ =	shalt  }
0x83: {  	_ =	shalt  }
0x84: {  	_ =	shalt  }
0x85: {  	_ =	shalt  }
0x86: {  	_ =	shalt  }
0x87: {  	_ =	shalt  }
.Lfunc_end0:
.L_simem_size_0:
called_computation_lowered:
.L_overlay_start_0:
0x88: {  	s2 =	sld [smem:$0x3FD9]  }
0x89: {  	s3 =	sld [smem:$0x3FFE];
	_ =	sdelay $0x1  }
0x8a: {  	s1 =	srdreg.scid  }
0x8b: {  	s0 =	sand.u32 $0x1, s1  }
0x8c: {  	s14 =	sshll.u32 s0, $0xA;
	s2 =	sadd.s32 s3, s2  }
0x8d: {  	s2 =	sadd.s32 s2, s14  }
0x8e: {  	[smem:$0x3FC6] =	sst s2  }
0x8f: {  	_ = 	snop  }
0x90: {  	s2 =	sld [smem:$0x3FD0];
	_ =	sdelay $0x2  }
0x91: {  	s15 =	simm.s32 $0xA;
	s4 =	simm.s32 $0x10  }
0x92: {  	[smem:s4], [sflag:s15] =	dma.local [hbm:s2], $0x1  }
0x93: {  	_ =	swait.eq [sflag:s15], $0x1  }
0x94: {  	[sflag:s15] =	ssyncset.done $0x0  }
0x95: {  	s16 =	sld [smem:$0x11];
	[sflag:s15] =	ssyncadd.s32 $0xFFFFFFFF  }
0x96: {  	s17 =	sld [smem:$0x12];
	(tm) =	ssettm $0x1  }
0x97: {  	s18 =	sld [smem:$0x3FFB];
	_ =	sdelay $0x3  }
0x98: {  	_ =	strace s18  }
0x99: {  	s4 =	sld [smem:$0x3FFC];
	_ =	sdelay $0x3  }
0x9a: {  	_ =	strace s4  }
0x9b: {  	s4 =	sld [smem:$0x3FFD];
	_ =	sdelay $0x3  }
0x9c: {  	_ =	strace s4  }
0x9d: {  	_ =	strace $0x8FFFFFFF  }
0x9e: {  	s19 =	sld [smem:$0x3FDB];
	_ =	sdelay $0x1  }
0x9f: {  	s5 =	simm.s32 $_scs_section_size  }
0xa0: {  	s6 =	simm.s32 $_size__tile_overlayer_lowered;
	s7 =	simm.s32 $_tile_overlayer_lowered  }
0xa1: {  	s22 =	simm.s32 $0x1BFF;
	s21 =	sshll.u32 s7, $0x1;
	s4 =	sadd.s32 s5, s19  }
0xa2: {  	s8 =	simm.s32 $0x0;
	s20 =	sshll.u32 s6, $0x1;
	s6 =	sadd.s32 s21, s4  }
0xa3: {  	[timem:s8], [sflag:s22] =	dma.local [hbm:s6], s20  }
0xa4: {  	_ =	swait.ge [sflag:s22], s20  }
0xa5: {  	s5 =	ssub.s32 $0x0, s20;
	[sflag:s22] =	ssyncset.done $0x0  }
0xa6: {  	[sflag:s22] =	ssyncadd.s32 s5;
	_ =	sdelay $0x1  }
0xa7: {  	s23 =	simm.s32 $0x1B8B  }
0xa8: {  	_ =	swait.ge [sflag:s23], $0x1  }
0xa9: {  	[sflag:s23] =	ssyncset.done $0x0  }
0xaa: {  	s25 =	simm.s32 $0x1B8E;
	s24 =	sld [smem:$0x3FFE];
	[sflag:s23] =	ssyncadd.s32 $0xFFFFFFFF  }
0xab: {  	s26 =	simm.s32 $execute0_lowered;
	[smem:$0x3FD2] =	sst s25  }
0xac: {  	s6 =	sshll.u32 s26, $0x1;
	_ =	strace $0x80000046;
	[dreg:$0x1] =	wrdreg $0xFFFFFFFF  }
0xad: {  	s28 =	simm.s32 $_size_execute0_lowered;
	s4 =	sadd.s32 s4, s6;
	[dreg:$0x0] =	wrdreg $0x0  }
0xae: {  	s6 =	sshll.u32 s28, $0x1;
	[dreg:$0x2] =	wrdreg s4  }
0xaf: {  	[dreg:$0x3] =	wrdreg s6  }
0xb0: {  	[dreg:$0x4] =	wrdreg $0xC0  }
0xb1: {  	_ =	task [dreg:s8], $0x5FFFF  }
0xb2: {  	[dreg:$0x1] =	wrdreg $0xFFFFFFFF  }
0xb3: {  	[dreg:$0x0] =	wrdreg $0x60  }
0xb4: {  	[dreg:$0x2] =	wrdreg s24  }
0xb5: {  	[dreg:$0x3] =	wrdreg s17  }
0xb6: {  	[dreg:$0x4] =	wrdreg s16  }
0xb7: {  	[dreg:$0x5] =	wrdreg $0x9  }
0xb8: {  	_ =	task.clear_ibuf [dreg:s8], $0x6FFFF;
	_ =	strace $0x90000046  }
0xb9: {  	s29 =	simm.s32 $0x9;
	_ =	strace $0x80000048  }
0xba: {  	_ =	swait.ge [sflag:s29], $0x1  }
0xbb: {  	[sflag:s29] =	ssyncadd.s32 $0xFFFFFFFF  }
0xbc: {  	_ =	strace $0x90000048  }
0xbd: {  	_ =	sfence  }
0xbe: {  	s30 =	sld [smem:$0x0];
	_ =	sdelay $0x2  }
0xbf: {  	s31 =	sshll.u32 s1, $0xD;
	s1 =	sshrl.u32 s1, $0x2  }
0xc0: {  	s3 =	sand.u32 $0x4000, s31;
	s1 =	sadd.s32 s1, s30  }
0xc1: {  	s0 =	sor.u32 s3, s0;
	s1 =	sshll.u32 s1, $0x11  }
0xc2: {  	s0 =	sor.u32 s1, s0  }
0xc3: {  	s0 =	sadd.s32 $0x8F2B, s0  }
0xc4: {  	[sflag:s0] =	ssyncadd.remote.s32 $0x1  }
0xc5: {  	_ =	sfence.sel $0xFFFF  }
0xc6: {  	[dreg:$0x0] =	wrdreg $0xFFFFFFFF;
	(pc) =	sbr.abs _section_cstart, $3  }
0xc7: {  	[dreg:$0x1] =	wrdreg $0xFFFFFFFF  }
0xc8: {  	_ =	task.clear_ibuf [dreg:s8], $0x2FFFF;
	_ =	strace $0x9FFFFFFF  }
0xc9: {  	(tm) =	ssettm $0x7FFFFFFF  }
tec
execute0_lowered:
.L_overlay_start_1:
0x0: {  	(tag) =	ssettag $0x1  }
0x1: {  	s5 =	rddreg [dreg:$0x0]  }
0x2: {  	s1 =	srdreg.scid;
	s3 =	rddreg [dreg:$0x1]  }
0x3: {  	s0 =	stileid.u32;
	s8 =	rddreg [dreg:$0x2];
	s6 =	sand.u32 $0x1, s1  }
0x4: {  	s2 =	simm.s32 $0x0;
	s4 =	sshll.u32 s0, $0xA;
	s7 =	sshll.u32 s6, $0x9  }
0x5: {  	[smem:$0x7FF] =	sst s2;
	s9 =	sor.u32 s7, s4  }
0x6: {  	s1 =	rddreg [dreg:$0x3];
	_ =	strace $0x80000047;
	s4 =	sshrl.u32 s9, $0x3  }
0x7: {  	s10 =	ssub.s32 $0x2, s6;
	s4 =	sadd.s32 s3, s4;
	s3 =	simm.s32 $0x2  }
0x8: {  	[tilespmem:s2], [sflag:$0x2] =	stream.linear.gather [hbm4b:s4+s2], $0x200, $0x38;
	[tilespmem:$0x8200] =	vst v63  }
0x9: {  	s5 =	sadd.s32 $0x200, s5;
	s11 =	sshrl.u32 s10, $0x1;
	_ =	swait.ge [sflag:s3], $0x200  }
0xa: {  	s6 =	simm.s32 $0x200;
	s10 =	ssub.s32 s10, s11;
	[sflag:s3] =	ssyncset.done $0x0  }
0xb: {  	s7 =	simm.s32 $0x1;
	s31 =	smax.u32 s10, $0x1;
	[sflag:s3] =	ssyncadd.s32 $0xFFFFFE00  }
0xc: {  	[tilespmem:s6], [sflag:$0x1] =	stream.indirect.gather [hbm4b:s5+s6], $0x40, s2, s6, $0xb8;
	[tilespmem:$0x8200] =	vst v63  }
0xd: {  	p0 =	sne.s32 s31, $0x1;
	_ =	swait.ge [sflag:s7], $0x8000  }
.Ltmp0:
0xe: {  	s9 =	sshll.u32 s9, $0x3;
	[sflag:s7] =	ssyncset.done $0x0;
	(pc) =	sbr.rel @!p0 .LBB2_2-.Ltmp0, $4  }
0xf: {  	s8 =	sadd.s32 s8, s9;
	[sflag:s7] =	ssyncadd.s32 $0xFFFF8000  }
0x10: {  	[hbm4b:s8+s2] =	stream.linear.scatter [tilespmem:s6], [sflag:$0x2], $0x8000, $0x38;
	[tilespmem:$0x8200] =	vst v63  }
0x11: {  	_ =	swait.ge [sflag:s3], $0x8000  }
0x12: {  	s9 =	sadd.s32 $0xFFFFFFFF, s31;
	[sflag:s3] =	ssyncset.done $0x0  }
.LBB2_1:
0x13: {  	p0 =	sne.s32 s9, $0x1;
	s9 =	sadd.s32 $0xFFFFFFFF, s9;
	[sflag:s3] =	ssyncadd.s32 $0xFFFF8000  }
0x14: {  	[tilespmem:s2], [sflag:$0x2] =	stream.linear.gather [hbm4b:s4+s2], $0x200, $0x38;
	[tilespmem:$0x8200] =	vst v63  }
0x15: {  	_ =	swait.ge [sflag:s3], $0x200  }
0x16: {  	[sflag:s3] =	ssyncset.done $0x0  }
0x17: {  	[sflag:s3] =	ssyncadd.s32 $0xFFFFFE00  }
0x18: {  	[tilespmem:s6], [sflag:$0x1] =	stream.indirect.gather [hbm4b:s5+s6], $0x40, s2, s6, $0xb8;
	[tilespmem:$0x8200] =	vst v63  }
0x19: {  	_ =	swait.ge [sflag:s7], $0x8000  }
.Ltmp1:
0x1a: {  	[sflag:s7] =	ssyncset.done $0x0;
	(pc) =	sbr.rel @p0 .LBB2_1-.Ltmp1, $4  }
0x1b: {  	[sflag:s7] =	ssyncadd.s32 $0xFFFF8000  }
0x1c: {  	[hbm4b:s8+s2] =	stream.linear.scatter [tilespmem:s6], [sflag:$0x2], $0x8000, $0x38;
	[tilespmem:$0x8200] =	vst v63  }
0x1d: {  	_ =	swait.ge [sflag:s3], $0x8000  }
0x1e: {  	[sflag:s3] =	ssyncset.done $0x0  }
.LBB2_2:
0x1f: {  	[sflag:s3] =	ssyncadd.s32 $0xFFFF8000  }
0x20: {  	_ =	sfence.sel $0x180000  }
0x21: {  	[bflag:$0x0] =	sbarrier.arrive $0xFFFF  }
0x22: {  	p0 =	sne.s32 s0, $0x0;
	_ =	strace $0x90000047  }
0x23: {  	s0 =	sadd.s32 @!p0 $0x100000, s1;
	[bflag:$0x2] =	sbarrier.arrive $0xFFFF  }
0x24: {  	[sflag:s0] =	ssyncadd.tile.s32 @!p0 $0x1;
	_ =	shalt  }
.Lfunc_end2:
_tile_overlayer_lowered:
.L_overlay_start_2:
0x25: {  	(tag) =	ssettag $0x2  }
0x26: {  	s0 =	rddreg [dreg:$0x0];
	s2 =	stileid.u32  }
0x27: {  	s1 =	rddreg [dreg:$0x1];
	p0 =	sne.s32 s2, $0x0  }
0x28: {  	s3 =	rddreg [dreg:$0x2];
	[bflag:$0x3] =	sbarrier.arrive $0xFFFF;
	s2 =	simm.s32 @!p0 $0x1C02  }
0x29: {  	[timem:s3], [sflag:s2] =	dma.local @!p0 [hbm:s0], s1  }
0x2a: {  	s0 =	simm.s32 @!p0 $0x2  }
0x2b: {  	_ =	swait.ge @!p0 [sflag:s0], s1  }
0x2c: {  	s1 =	ssub.s32 @!p0 $0x0, s1;
	[sflag:s0] =	ssyncset.done @!p0 $0x0  }
0x2d: {  	[sflag:s0] =	ssyncadd.s32 @!p0 s1  }
0x2e: {  	[bflag:$0x3] =	sbarrier.arrive $0xFFFF  }
0x2f: {  	_ =	shalt  }

</sc_bundles>
